<compile_context>
chip_gen: v7x
topology: tpu7x:2x2x1
jax: 0.10.2.dev20260603
libtpu: 0.0.44.dev20260713+nightly
codegen_flags: <defaults>
</compile_context>

<pallas_src>
import functools

import jax
import jax.numpy as jnp
from jax import lax
from jax.experimental import pallas as pl
from jax.experimental.pallas import tpu as pltpu
from jax.experimental.pallas import tpu_sc as plsc

_HI = lax.Precision.HIGHEST
_NS = 16
_K = 128
_DH = 128
_NG = 64


def _dinv(d0_ref, d1_ref):
    return lax.rsqrt(d0_ref[:, 0] + d1_ref[:, 0] + 1.0)



def _sc_degree(dst4, ones_h, zeros_h, n_nodes):
    chd = dst4.shape[2]
    rpt = n_nodes // _NS
    mesh = plsc.VectorSubcoreMesh(core_axis_name="c", subcore_axis_name="s")

    @functools.partial(
        pl.kernel,
        out_type=jax.ShapeDtypeStruct((2 * n_nodes, _DH), jnp.float32),
        mesh=mesh,
        scratch_types=[
            pltpu.VMEM((_K,), jnp.int32),
            pltpu.VMEM((_K,), jnp.int32),
            pltpu.VMEM((_K,), jnp.int32),
            pltpu.VMEM((_K,), jnp.int32),
            pltpu.VMEM((_K, _DH), jnp.float32),
            pltpu.VMEM_SHARED((n_nodes + 8, _DH), jnp.float32),
            pltpu.SemaphoreType.DMA,
        ],
    )
    def deg_kernel(dst_h, ones_hbm, zeros_hbm, out, d0s, d1s, d2s, d3s,
                   ones_v, acc, sem):
        c = lax.axis_index("c")
        s = lax.axis_index("s")
        pltpu.sync_copy(zeros_hbm, acc.at[pl.ds(s * rpt, rpt)])
        pltpu.sync_copy(ones_hbm, ones_v)
        plsc.subcore_barrier()
        dibs = (d0s, d1s, d2s, d3s)

        def body(j, carry):
            cps = []
            for b, dib in enumerate(dibs):
                pltpu.sync_copy(dst_h.at[c, s, j * 4 + b], dib)
                cps.append(pltpu.async_copy(ones_v, acc.at[dib], sem,
                                            add=True))
            for cp in cps:
                cp.wait()
            return carry

        lax.fori_loop(0, chd // 4, body, 0)
        plsc.subcore_barrier()
        pltpu.sync_copy(acc.at[pl.ds(s * rpt, rpt)],
                        out.at[pl.ds(c * n_nodes + s * rpt, rpt)])

    return deg_kernel(dst4, ones_h, zeros_h)


def _sc_scatter(y_flat, src3, dst3, zeros_h, n_nodes):
    ch = dst3.shape[1]
    rpt = n_nodes // _NS
    mesh = plsc.VectorSubcoreMesh(core_axis_name="c", subcore_axis_name="s")

    @functools.partial(
        pl.kernel,
        out_type=jax.ShapeDtypeStruct((2 * n_nodes, _DH), jnp.float32),
        mesh=mesh,
        scratch_types=[
            pltpu.VMEM((_K,), jnp.int32),
            pltpu.VMEM((_K,), jnp.int32),
            pltpu.VMEM((_K,), jnp.int32),
            pltpu.VMEM((_K,), jnp.int32),
            pltpu.VMEM((_K, _DH), jnp.float32),
            pltpu.VMEM((_K, _DH), jnp.float32),
            pltpu.VMEM_SHARED((n_nodes, _DH), jnp.float32),
            pltpu.SemaphoreType.DMA,
            pltpu.SemaphoreType.DMA,
        ],
    )
    def conv_kernel(y_h, src_h, dst_h, zeros_hbm, out, sib0, sib1, dib0,
                    dib1, r0, r1, acc, semg0, semg1):
        c = lax.axis_index("c")
        s = lax.axis_index("s")
        pltpu.sync_copy(zeros_hbm, acc.at[pl.ds(s * rpt, rpt)])
        plsc.subcore_barrier()
        base = c * n_nodes

        def load_idx(j, buf):
            pltpu.sync_copy(src_h.at[s, j], buf)

            def fix(q, carry2):
                buf[pl.ds(q * 16, 16)] = buf[pl.ds(q * 16, 16)] + base
                return carry2

            lax.fori_loop(0, _K // 16, fix, 0)

        load_idx(0, sib0)
        pltpu.async_copy(y_h.at[sib0], r0, semg0)

        def body(jj, carry):
            j0 = jj * 2
            pltpu.sync_copy(dst_h.at[s, j0], dib0)
            load_idx(j0 + 1, sib1)
            pltpu.make_async_copy(y_h.at[sib0], r0, semg0).wait()
            pltpu.async_copy(y_h.at[sib1], r1, semg1)
            load_idx(j0 + 2, sib0)
            pltpu.sync_copy(r0, acc.at[dib0], add=True)
            pltpu.async_copy(y_h.at[sib0], r0, semg0)
            pltpu.sync_copy(dst_h.at[s, j0 + 1], dib1)
            pltpu.make_async_copy(y_h.at[sib1], r1, semg1).wait()
            pltpu.sync_copy(r1, acc.at[dib1], add=True)
            return carry

        lax.fori_loop(0, ch // 2, body, 0)
        pltpu.make_async_copy(y_h.at[sib0], r0, semg0).wait()
        plsc.subcore_barrier()
        pltpu.sync_copy(acc.at[pl.ds(s * rpt, rpt)],
                        out.at[pl.ds(c * n_nodes + s * rpt, rpt)])

    return conv_kernel(y_flat, src3, dst3, zeros_h)



def _tc_scale_matmul(x, w1, d0, d1, blk):
    n, din = x.shape
    nh = w1.shape[1]
    g = n // blk

    def body(x_ref, w_ref, d0_ref, d1_ref, y_ref):
        dinv = _dinv(d0_ref, d1_ref)
        xw = jnp.dot(x_ref[...], w_ref[...], precision=_HI,
                     preferred_element_type=jnp.float32)
        y = dinv[:, None] * xw
        y_ref[0] = y[:, :_DH]
        y_ref[1] = y[:, _DH:]

    return pl.pallas_call(
        body,
        grid=(g,),
        in_specs=[
            pl.BlockSpec((blk, din), lambda i: (i, 0)),
            pl.BlockSpec((din, nh), lambda i: (0, 0)),
            pl.BlockSpec((blk, 16), lambda i: (i, 0)),
            pl.BlockSpec((blk, 16), lambda i: (i, 0)),
        ],
        out_specs=pl.BlockSpec((2, blk, _DH), lambda i: (0, i, 0)),
        out_shape=jax.ShapeDtypeStruct((2, n, _DH), jnp.float32),
    )(x, w1, d0, d1)


def _tc_mid(s1a, s1b, y1, d0, d1, b1, wlin_t, blin, w2, blk, n_real):
    n = s1a.shape[0]
    nh = wlin_t.shape[0]
    g = n // blk

    def body(sa_ref, sb_ref, y_ref, d0_ref, d1_ref, b1_ref, wl_ref, bl_ref,
             w2_ref, out_ref):
        i = pl.program_id(0)
        dinv = _dinv(d0_ref, d1_ref)
        s1 = jnp.concatenate([sa_ref[...], sb_ref[...]], axis=1)
        y1 = jnp.concatenate([y_ref[0], y_ref[1]], axis=1)
        h1 = jax.nn.relu(dinv[:, None] * (s1 + y1) + b1_ref[0])
        h = jax.nn.relu(jnp.dot(h1, wl_ref[...], precision=_HI,
                                preferred_element_type=jnp.float32) + bl_ref[0])
        y2 = dinv[:, None] * jnp.dot(h, w2_ref[...], precision=_HI,
                                     preferred_element_type=jnp.float32)
        row = i * blk + lax.broadcasted_iota(jnp.int32, (blk, 1), 0)
        y2 = jnp.where(row < n_real, y2, 0.0)
        out_ref[0] = y2[:, :_DH]
        out_ref[1] = y2[:, _DH:]

    return pl.pallas_call(
        body,
        grid=(g,),
        in_specs=[
            pl.BlockSpec((blk, _DH), lambda i: (i, 0)),
            pl.BlockSpec((blk, _DH), lambda i: (i, 0)),
            pl.BlockSpec((2, blk, _DH), lambda i: (0, i, 0)),
            pl.BlockSpec((blk, 16), lambda i: (i, 0)),
            pl.BlockSpec((blk, 16), lambda i: (i, 0)),
            pl.BlockSpec((1, nh), lambda i: (0, 0)),
            pl.BlockSpec((nh, nh), lambda i: (0, 0)),
            pl.BlockSpec((1, nh), lambda i: (0, 0)),
            pl.BlockSpec((nh, nh), lambda i: (0, 0)),
        ],
        out_specs=pl.BlockSpec((2, blk, _DH), lambda i: (0, i, 0)),
        out_shape=jax.ShapeDtypeStruct((2, n, _DH), jnp.float32),
    )(s1a, s1b, y1, d0, d1, b1, wlin_t, blin, w2)


def _tc_readout(s2a, s2b, y2, d0, d1, b2, batch3, wr, blk):
    n = s2a.shape[0]
    nh = wr.shape[0]
    g = n // blk

    def body(sa_ref, sb_ref, y_ref, d0_ref, d1_ref, b2_ref, bat_ref, wr_ref,
             out_ref, sums, counts, tg):
        p = pl.program_id(0)
        i = pl.program_id(1)
        dinv = _dinv(d0_ref, d1_ref)
        s2 = jnp.concatenate([sa_ref[...], sb_ref[...]], axis=1)
        y2 = jnp.concatenate([y_ref[0], y_ref[1]], axis=1)
        h2 = dinv[:, None] * (s2 + y2) + b2_ref[0]
        bat = bat_ref[0, 0]
        onehot = (bat[:, None] == lax.broadcasted_iota(jnp.int32, (1, _NG), 1)
                  ).astype(jnp.float32)

        @pl.when((p == 0) & (i == 0))
        def _():
            sums[...] = jnp.zeros_like(sums)
            counts[...] = jnp.zeros_like(counts)

        @pl.when(p == 0)
        def _():
            sums[...] += lax.dot_general(
                onehot, h2, (((0,), (0,)), ((), ())), precision=_HI,
                preferred_element_type=jnp.float32)
            counts[...] += jnp.sum(onehot, axis=0, keepdims=True)

        @pl.when((p == 1) & (i == 0))
        def _():
            cnt = jnp.reshape(jnp.clip(counts[...], 1.0), (_NG, 1))
            mean = sums[...] / cnt
            tg[...] = jnp.tanh(jnp.dot(mean, wr_ref[...], precision=_HI,
                                       preferred_element_type=jnp.float32))
            out_ref[...] = jnp.zeros_like(out_ref)

        @pl.when(p == 1)
        def _():
            tgb = jnp.dot(onehot, tg[...], precision=_HI,
                          preferred_element_type=jnp.float32)
            coef = jax.nn.sigmoid(jnp.sum(h2 * tgb, axis=1))
            out_ref[...] += lax.dot_general(
                onehot, coef[:, None] * h2, (((0,), (0,)), ((), ())),
                precision=_HI, preferred_element_type=jnp.float32)

    return pl.pallas_call(
        body,
        grid=(2, g),
        in_specs=[
            pl.BlockSpec((blk, _DH), lambda p, i: (i, 0)),
            pl.BlockSpec((blk, _DH), lambda p, i: (i, 0)),
            pl.BlockSpec((2, blk, _DH), lambda p, i: (0, i, 0)),
            pl.BlockSpec((blk, 16), lambda p, i: (i, 0)),
            pl.BlockSpec((blk, 16), lambda p, i: (i, 0)),
            pl.BlockSpec((1, nh), lambda p, i: (0, 0)),
            pl.BlockSpec((1, 1, blk), lambda p, i: (i, 0, 0)),
            pl.BlockSpec((nh, nh), lambda p, i: (0, 0)),
        ],
        out_specs=pl.BlockSpec((_NG, nh), lambda p, i: (0, 0)),
        out_shape=jax.ShapeDtypeStruct((_NG, nh), jnp.float32),
        scratch_shapes=[
            pltpu.VMEM((_NG, nh), jnp.float32),
            pltpu.VMEM((1, _NG), jnp.float32),
            pltpu.VMEM((_NG, nh), jnp.float32),
        ],
    )(s2a, s2b, y2, d0, d1, b2, batch3, wr)



def kernel(x, edge_index, batch, W1, b1, Wlin, blin, W2, b2, Wr):
    n, _ = x.shape
    e = edge_index.shape[1]
    npad = _NS * 8 * ((n + _NS * 8 - 1) // (_NS * 8))
    blk = npad // _NS
    ch = 2 * ((e + 2 * _NS * _K - 1) // (2 * _NS * _K))
    e2c = _NS * _K * ch
    chd = 4 * ((e + 8 * _NS * _K - 1) // (8 * _NS * _K))
    e2 = 2 * _NS * _K * chd

    x = jnp.pad(x, ((0, npad - n), (0, 0)))
    batch = jnp.pad(batch, (0, npad - n), constant_values=_NG)

    src3 = jnp.pad(
        jnp.pad(edge_index[0], (0, e2c - e),
                constant_values=n).reshape(_NS, ch, _K),
        ((0, 0), (0, 1), (0, 0)), constant_values=n)
    dst3 = jnp.concatenate(
        [edge_index[1], jnp.arange(e2c - e, dtype=jnp.int32) % n]
    ).reshape(_NS, ch, _K)
    dst4 = jnp.concatenate(
        [edge_index[1],
         npad + (jnp.arange(e2 - e, dtype=jnp.int32) % 8)]
    ).reshape(2, _NS, chd, _K)
    ones_d = jnp.ones((_K, _DH), jnp.float32)
    zeros_d = jnp.zeros((blk, _DH), jnp.float32)
    batch3 = batch.reshape(_NS, 1, blk)

    deg_flat = _sc_degree(dst4, ones_d, zeros_d, npad)
    d0 = deg_flat[:npad, :16]
    d1 = deg_flat[npad:, :16]
    y1 = _tc_scale_matmul(x, W1, d0, d1, blk)
    s1f = _sc_scatter(y1.reshape(2 * npad, _DH), src3, dst3, zeros_d, npad)
    y2 = _tc_mid(s1f[:npad], s1f[npad:], y1, d0, d1, b1.reshape(1, -1),
                 Wlin.T, blin.reshape(1, -1), W2, blk, n)
    s2f = _sc_scatter(y2.reshape(2 * npad, _DH), src3, dst3, zeros_d, npad)
    return _tc_readout(s2f[:npad], s2f[npad:], y2, d0, d1, b2.reshape(1, -1),
                       batch3, Wr, blk)

# --- scband reference (transcript-rebuilt; emitter-appended) ---
"""Pipeline reference for scband-gcn-74612171866514 (READ-ONLY COPY).

The authoritative reference and input builder live on the scoring server;
editing this copy changes nothing except your own understanding.
"""

import jax, jax.numpy as jnp
import numpy as np

N = 10000
E = 320000
DIN = 128
NHID = 256
B = 64


def gcn_conv(x, edge_index, W, b):
    num_nodes = x.shape[0]
    loop = jnp.arange(num_nodes, dtype=edge_index.dtype)
    src = jnp.concatenate([edge_index[0], loop])
    dst = jnp.concatenate([edge_index[1], loop])
    deg = jnp.zeros((num_nodes,), dtype=x.dtype).at[dst].add(1.0)
    dinv = jnp.where(deg > 0, 1.0 / jnp.sqrt(deg), 0.0)
    norm = dinv[src] * dinv[dst]
    xw = x @ W
    msg = norm[:, None] * xw[src]
    out = jnp.zeros_like(xw).at[dst].add(msg)
    return out + b


def readout(x, batch, Wr, num_graphs):
    ones = jnp.ones((x.shape[0],), dtype=x.dtype)
    counts = jax.ops.segment_sum(ones, batch, num_segments=num_graphs)
    sums = jax.ops.segment_sum(x, batch, num_segments=num_graphs)
    mean_pool = sums / jnp.clip(counts, 1.0)[:, None]
    transformed_global = jnp.tanh(mean_pool @ Wr)
    coefs = jax.nn.sigmoid(jnp.sum(x * transformed_global[batch], axis=1))
    weighted = coefs[:, None] * x
    return jax.ops.segment_sum(weighted, batch, num_segments=num_graphs)


def setup_inputs(seed: int = 0) -> dict:
    key = jax.random.key(seed)
    ks = jax.random.split(key, 10)
    x = jax.random.normal(ks[0], (N, DIN), dtype=jnp.float32)
    edge_index = jax.random.randint(ks[1], (2, E), 0, N, dtype=jnp.int32)
    batch = jnp.sort(jax.random.randint(ks[2], (N,), 0, B, dtype=jnp.int32))
    s1 = float(np.sqrt(6.0 / (DIN + NHID)))
    s2 = float(np.sqrt(6.0 / (NHID + NHID)))
    W1 = jax.random.uniform(ks[3], (DIN, NHID), jnp.float32, -s1, s1)
    b1 = jnp.zeros((NHID,), dtype=jnp.float32)
    Wlin = jax.random.uniform(ks[4], (NHID, NHID), jnp.float32, -s2, s2)
    blin = jnp.zeros((NHID,), dtype=jnp.float32)
    W2 = jax.random.uniform(ks[5], (NHID, NHID), jnp.float32, -s2, s2)
    b2 = jnp.zeros((NHID,), dtype=jnp.float32)
    Wr = jax.random.uniform(ks[6], (NHID, NHID), jnp.float32, -s2, s2)
    return {"x": x, "edge_index": edge_index, "batch": batch, "W1": W1, "b1": b1, "Wlin": Wlin, "blin": blin, "W2": W2, "b2": b2, "Wr": Wr}


def reference(x, edge_index, batch, W1, b1, Wlin, blin, W2, b2, Wr):
    h = gcn_conv(x, edge_index, W1, b1)
    h = jax.nn.relu(h)
    h = h @ Wlin.T + blin
    h = jax.nn.relu(h)
    # dropout p=0.0 / eval mode: identity
    h = gcn_conv(h, edge_index, W2, b2)
    return readout(h, batch, Wr, B)

if __name__ == "__main__":
    import jax
    _d = setup_inputs()
    print(jax.jit(kernel)(*tuple(_d.values())))

</pallas_src>

<mosaic_0001>
#map = affine_map<(d0, d1) -> (0, 0)>
#map1 = affine_map<(d0, d1) -> (0, 0, 0)>
module attributes {stable_mosaic.version = 14 : i64} {
  func.func @conv_kernel(%arg0: i32, %arg1: i32, %arg2: memref<20224x128xf32, #tpu.memory_space<hbm>>, %arg3: memref<16x159x128xi32, #tpu.memory_space<hbm>>, %arg4: memref<16x158x128xi32, #tpu.memory_space<hbm>>, %arg5: memref<632x128xf32, #tpu.memory_space<hbm>>, %arg6: memref<20224x128xf32, #tpu.memory_space<hbm>>, %arg7: memref<128xi32, #tpu.memory_space<vmem>>, %arg8: memref<128xi32, #tpu.memory_space<vmem>>, %arg9: memref<128xi32, #tpu.memory_space<vmem>>, %arg10: memref<128xi32, #tpu.memory_space<vmem>>, %arg11: memref<128x128xf32, #tpu.memory_space<vmem>>, %arg12: memref<128x128xf32, #tpu.memory_space<vmem>>, %arg13: memref<10112x128xf32, #tpu.memory_space<vmem_shared>>, %arg14: memref<!tpu.dma_semaphore, #tpu.memory_space<semaphore_mem>>, %arg15: memref<!tpu.dma_semaphore, #tpu.memory_space<semaphore_mem>>) attributes {dimension_semantics = [#tpu.dimension_semantics<core_parallel>, #tpu.dimension_semantics<subcore_parallel>], iteration_bounds = array<i64: 2, 16>, scalar_prefetch = 0 : i64, scratch_operands = 9 : i64, tpu.core_type = #tpu.core_type<sc_vector_subcore>, window_params = [{transform_indices = #map}, {transform_indices = #map1}, {transform_indices = #map1}, {transform_indices = #map}, {transform_indices = #map}]} {
    %mul3A = arith.constant 632 : i32
    %mul3A_0 = arith.muli %arg1, %mul3A : i32
    "tpu.region"() ({
      %run_scoped3A_25 = tpu.sem_alloc : memref<!tpu.dma_semaphore, #tpu.memory_space<semaphore_mem>>
      %dma_start3A_26 = arith.constant 0 : i32
      %dma_start3A_27 = tpu.memref_slice %arg13[%mul3A_0, %dma_start3A_26] : memref<10112x128xf32, #tpu.memory_space<vmem_shared>> -> memref<632x128xf32, #tpu.memory_space<vmem_shared>>
      tpu.enqueue_dma source(%arg5 : memref<632x128xf32, #tpu.memory_space<hbm>>) target(%dma_start3A_27 : memref<632x128xf32, #tpu.memory_space<vmem_shared>>) target_semaphore(%run_scoped3A_25 : memref<!tpu.dma_semaphore, #tpu.memory_space<semaphore_mem>>)
      %dma_wait3A_28 = arith.constant 0 : i32
      %dma_wait3A_29 = tpu.memref_slice %arg13[%mul3A_0, %dma_wait3A_28] : memref<10112x128xf32, #tpu.memory_space<vmem_shared>> -> memref<632x128xf32, #tpu.memory_space<vmem_shared>>
      tpu.wait_dma2 semaphore(%run_scoped3A_25 : memref<!tpu.dma_semaphore, #tpu.memory_space<semaphore_mem>>) src(%arg5 : memref<632x128xf32, #tpu.memory_space<hbm>>) dst(%dma_wait3A_29 : memref<632x128xf32, #tpu.memory_space<vmem_shared>>)
      tpu.yield
    }) : () -> ()
    %barrier3A = arith.constant 0 : index
    tpu.barrier barrier_id(%barrier3A)
    %mul3A_1 = arith.constant 10112 : i32
    %mul3A_2 = arith.muli %arg0, %mul3A_1 : i32
    %run_scoped3A = arith.constant 0 : i32
    "tpu.region"() ({
      %run_scoped3A_25 = tpu.sem_alloc : memref<!tpu.dma_semaphore, #tpu.memory_space<semaphore_mem>>
      %dma_start3A_26 = arith.constant 0 : i32
      %dma_start3A_27 = tpu.memref_slice %arg3[%arg1, %run_scoped3A, %dma_start3A_26] : memref<16x159x128xi32, #tpu.memory_space<hbm>> -> memref<1x1x128xi32, #tpu.memory_space<hbm>>
      %dma_start3A_28 = tpu.memref_squeeze %dma_start3A_27 : memref<1x1x128xi32, #tpu.memory_space<hbm>> -> memref<128xi32, #tpu.memory_space<hbm>>
      %dma_start3A_29 = arith.constant 0 : i32
      %dma_start3A_30 = tpu.memref_slice %arg3[%arg1, %run_scoped3A, %dma_start3A_29] : memref<16x159x128xi32, #tpu.memory_space<hbm>> -> memref<1x1x128xi32, #tpu.memory_space<hbm>>
      %dma_start3A_31 = tpu.memref_squeeze %dma_start3A_30 : memref<1x1x128xi32, #tpu.memory_space<hbm>> -> memref<128xi32, #tpu.memory_space<hbm>>
      tpu.enqueue_dma source(%dma_start3A_31 : memref<128xi32, #tpu.memory_space<hbm>>) target(%arg7 : memref<128xi32, #tpu.memory_space<vmem>>) target_semaphore(%run_scoped3A_25 : memref<!tpu.dma_semaphore, #tpu.memory_space<semaphore_mem>>)
      %dma_wait3A_32 = arith.constant 0 : i32
      %dma_wait3A_33 = tpu.memref_slice %arg3[%arg1, %run_scoped3A, %dma_wait3A_32] : memref<16x159x128xi32, #tpu.memory_space<hbm>> -> memref<1x1x128xi32, #tpu.memory_space<hbm>>
      %dma_wait3A_34 = tpu.memref_squeeze %dma_wait3A_33 : memref<1x1x128xi32, #tpu.memory_space<hbm>> -> memref<128xi32, #tpu.memory_space<hbm>>
      %dma_wait3A_35 = arith.constant 0 : i32
      %dma_wait3A_36 = tpu.memref_slice %arg3[%arg1, %run_scoped3A, %dma_wait3A_35] : memref<16x159x128xi32, #tpu.memory_space<hbm>> -> memref<1x1x128xi32, #tpu.memory_space<hbm>>
      %dma_wait3A_37 = tpu.memref_squeeze %dma_wait3A_36 : memref<1x1x128xi32, #tpu.memory_space<hbm>> -> memref<128xi32, #tpu.memory_space<hbm>>
      tpu.wait_dma2 semaphore(%run_scoped3A_25 : memref<!tpu.dma_semaphore, #tpu.memory_space<semaphore_mem>>) src(%dma_wait3A_37 : memref<128xi32, #tpu.memory_space<hbm>>) dst(%arg7 : memref<128xi32, #tpu.memory_space<vmem>>)
      tpu.yield
    }) : () -> ()
    %scan3A = arith.constant 0 : i32
    %scan3A_3 = arith.constant 0 : i32
    %scan3A_4 = arith.constant 8 : i32
    %scan3A_5 = arith.addi %scan3A_3, %scan3A_4 : i32
    %scan3A_6 = arith.constant 1 : i32
    scf.for %scan3A_25 = %scan3A_3 to %scan3A_5 step %scan3A_6  : i32 {
      %mul3A_26 = arith.constant 16 : i32
      %mul3A_27 = arith.muli %scan3A_25, %mul3A_26 : i32
      %get3A = arith.index_cast %mul3A_27 : i32 to index
      %get3A_28 = tpu.vector_load %arg7[%get3A] {strides = array<i32>} : memref<128xi32, #tpu.memory_space<vmem>>, vector<16xi32>,
      %get3A_29 = vector.shape_cast %get3A_28 : vector<16xi32> to vector<16xi32>
      %add3A_30 = vector.broadcast %mul3A_2 : i32 to vector<16xi32>
      %add3A_31 = arith.addi %get3A_29, %add3A_30 : vector<16xi32>
      %mul3A_32 = arith.constant 16 : i32
      %mul3A_33 = arith.muli %scan3A_25, %mul3A_32 : i32
      %swap3A = arith.index_cast %mul3A_33 : i32 to index
      %swap3A_34 = tpu.vector_load %arg7[%swap3A] {strides = array<i32>} : memref<128xi32, #tpu.memory_space<vmem>>, vector<16xi32>,
      %swap3A_35 = vector.shape_cast %swap3A_34 : vector<16xi32> to vector<16xi32>
      %swap3A_36 = vector.shape_cast %add3A_31 : vector<16xi32> to vector<16xi32>
      tpu.vector_store %arg7[%swap3A], %swap3A_36 {strides = array<i32>} : memref<128xi32, #tpu.memory_space<vmem>>, vector<16xi32>,
    }
    %scan3A_7 = arith.constant 8 : i32
    %dma_start3A = arith.constant 0 : i32
    %dma_start3A_8 = arith.constant 0 : i32
    %dma_start3A_9 = tpu.memref_slice %arg2[%dma_start3A, %dma_start3A_8] : memref<20224x128xf32, #tpu.memory_space<hbm>> -> memref<20224x128xf32, #tpu.memory_space<hbm>>
    tpu.enqueue_indirect_dma source(%dma_start3A_9 : memref<20224x128xf32, #tpu.memory_space<hbm>>) target(%arg11 : memref<128x128xf32, #tpu.memory_space<vmem>>) offsets(%arg7 : memref<128xi32, #tpu.memory_space<vmem>>) semaphore(%arg14 : memref<!tpu.dma_semaphore, #tpu.memory_space<semaphore_mem>>)
    %scan3A_10 = arith.constant 0 : i32
    %scan3A_11 = arith.constant 0 : i32
    %scan3A_12 = arith.constant 79 : i32
    %scan3A_13 = arith.addi %scan3A_11, %scan3A_12 : i32
    %scan3A_14 = arith.constant 1 : i32
    scf.for %scan3A_25 = %scan3A_11 to %scan3A_13 step %scan3A_14  : i32 {
      %mul3A_26 = arith.constant 2 : i32
      %mul3A_27 = arith.muli %scan3A_25, %mul3A_26 : i32
      "tpu.region"() ({
        %run_scoped3A_58 = tpu.sem_alloc : memref<!tpu.dma_semaphore, #tpu.memory_space<semaphore_mem>>
        %dma_start3A_59 = arith.constant 0 : i32
        %dma_start3A_60 = tpu.memref_slice %arg4[%arg1, %mul3A_27, %dma_start3A_59] : memref<16x158x128xi32, #tpu.memory_space<hbm>> -> memref<1x1x128xi32, #tpu.memory_space<hbm>>
        %dma_start3A_61 = tpu.memref_squeeze %dma_start3A_60 : memref<1x1x128xi32, #tpu.memory_space<hbm>> -> memref<128xi32, #tpu.memory_space<hbm>>
        %dma_start3A_62 = arith.constant 0 : i32
        %dma_start3A_63 = tpu.memref_slice %arg4[%arg1, %mul3A_27, %dma_start3A_62] : memref<16x158x128xi32, #tpu.memory_space<hbm>> -> memref<1x1x128xi32, #tpu.memory_space<hbm>>
        %dma_start3A_64 = tpu.memref_squeeze %dma_start3A_63 : memref<1x1x128xi32, #tpu.memory_space<hbm>> -> memref<128xi32, #tpu.memory_space<hbm>>
        tpu.enqueue_dma source(%dma_start3A_64 : memref<128xi32, #tpu.memory_space<hbm>>) target(%arg9 : memref<128xi32, #tpu.memory_space<vmem>>) target_semaphore(%run_scoped3A_58 : memref<!tpu.dma_semaphore, #tpu.memory_space<semaphore_mem>>)
        %dma_wait3A_65 = arith.constant 0 : i32
        %dma_wait3A_66 = tpu.memref_slice %arg4[%arg1, %mul3A_27, %dma_wait3A_65] : memref<16x158x128xi32, #tpu.memory_space<hbm>> -> memref<1x1x128xi32, #tpu.memory_space<hbm>>
        %dma_wait3A_67 = tpu.memref_squeeze %dma_wait3A_66 : memref<1x1x128xi32, #tpu.memory_space<hbm>> -> memref<128xi32, #tpu.memory_space<hbm>>
        %dma_wait3A_68 = arith.constant 0 : i32
        %dma_wait3A_69 = tpu.memref_slice %arg4[%arg1, %mul3A_27, %dma_wait3A_68] : memref<16x158x128xi32, #tpu.memory_space<hbm>> -> memref<1x1x128xi32, #tpu.memory_space<hbm>>
        %dma_wait3A_70 = tpu.memref_squeeze %dma_wait3A_69 : memref<1x1x128xi32, #tpu.memory_space<hbm>> -> memref<128xi32, #tpu.memory_space<hbm>>
        tpu.wait_dma2 semaphore(%run_scoped3A_58 : memref<!tpu.dma_semaphore, #tpu.memory_space<semaphore_mem>>) src(%dma_wait3A_70 : memref<128xi32, #tpu.memory_space<hbm>>) dst(%arg9 : memref<128xi32, #tpu.memory_space<vmem>>)
        tpu.yield
      }) : () -> ()
      %add3A_28 = arith.constant 1 : i32
      %add3A_29 = arith.addi %mul3A_27, %add3A_28 : i32
      "tpu.region"() ({
        %run_scoped3A_58 = tpu.sem_alloc : memref<!tpu.dma_semaphore, #tpu.memory_space<semaphore_mem>>
        %dma_start3A_59 = arith.constant 0 : i32
        %dma_start3A_60 = tpu.memref_slice %arg3[%arg1, %add3A_29, %dma_start3A_59] : memref<16x159x128xi32, #tpu.memory_space<hbm>> -> memref<1x1x128xi32, #tpu.memory_space<hbm>>
        %dma_start3A_61 = tpu.memref_squeeze %dma_start3A_60 : memref<1x1x128xi32, #tpu.memory_space<hbm>> -> memref<128xi32, #tpu.memory_space<hbm>>
        %dma_start3A_62 = arith.constant 0 : i32
        %dma_start3A_63 = tpu.memref_slice %arg3[%arg1, %add3A_29, %dma_start3A_62] : memref<16x159x128xi32, #tpu.memory_space<hbm>> -> memref<1x1x128xi32, #tpu.memory_space<hbm>>
        %dma_start3A_64 = tpu.memref_squeeze %dma_start3A_63 : memref<1x1x128xi32, #tpu.memory_space<hbm>> -> memref<128xi32, #tpu.memory_space<hbm>>
        tpu.enqueue_dma source(%dma_start3A_64 : memref<128xi32, #tpu.memory_space<hbm>>) target(%arg8 : memref<128xi32, #tpu.memory_space<vmem>>) target_semaphore(%run_scoped3A_58 : memref<!tpu.dma_semaphore, #tpu.memory_space<semaphore_mem>>)
        %dma_wait3A_65 = arith.constant 0 : i32
        %dma_wait3A_66 = tpu.memref_slice %arg3[%arg1, %add3A_29, %dma_wait3A_65] : memref<16x159x128xi32, #tpu.memory_space<hbm>> -> memref<1x1x128xi32, #tpu.memory_space<hbm>>
        %dma_wait3A_67 = tpu.memref_squeeze %dma_wait3A_66 : memref<1x1x128xi32, #tpu.memory_space<hbm>> -> memref<128xi32, #tpu.memory_space<hbm>>
        %dma_wait3A_68 = arith.constant 0 : i32
        %dma_wait3A_69 = tpu.memref_slice %arg3[%arg1, %add3A_29, %dma_wait3A_68] : memref<16x159x128xi32, #tpu.memory_space<hbm>> -> memref<1x1x128xi32, #tpu.memory_space<hbm>>
        %dma_wait3A_70 = tpu.memref_squeeze %dma_wait3A_69 : memref<1x1x128xi32, #tpu.memory_space<hbm>> -> memref<128xi32, #tpu.memory_space<hbm>>
        tpu.wait_dma2 semaphore(%run_scoped3A_58 : memref<!tpu.dma_semaphore, #tpu.memory_space<semaphore_mem>>) src(%dma_wait3A_70 : memref<128xi32, #tpu.memory_space<hbm>>) dst(%arg8 : memref<128xi32, #tpu.memory_space<vmem>>)
        tpu.yield
      }) : () -> ()
      %scan3A_30 = arith.constant 0 : i32
      %scan3A_31 = arith.constant 0 : i32
      %scan3A_32 = arith.constant 8 : i32
      %scan3A_33 = arith.addi %scan3A_31, %scan3A_32 : i32
      %scan3A_34 = arith.constant 1 : i32
      scf.for %scan3A_58 = %scan3A_31 to %scan3A_33 step %scan3A_34  : i32 {
        %mul3A_59 = arith.constant 16 : i32
        %mul3A_60 = arith.muli %scan3A_58, %mul3A_59 : i32
        %get3A = arith.index_cast %mul3A_60 : i32 to index
        %get3A_61 = tpu.vector_load %arg8[%get3A] {strides = array<i32>} : memref<128xi32, #tpu.memory_space<vmem>>, vector<16xi32>,
        %get3A_62 = vector.shape_cast %get3A_61 : vector<16xi32> to vector<16xi32>
        %add3A_63 = vector.broadcast %mul3A_2 : i32 to vector<16xi32>
        %add3A_64 = arith.addi %get3A_62, %add3A_63 : vector<16xi32>
        %mul3A_65 = arith.constant 16 : i32
        %mul3A_66 = arith.muli %scan3A_58, %mul3A_65 : i32
        %swap3A = arith.index_cast %mul3A_66 : i32 to index
        %swap3A_67 = tpu.vector_load %arg8[%swap3A] {strides = array<i32>} : memref<128xi32, #tpu.memory_space<vmem>>, vector<16xi32>,
        %swap3A_68 = vector.shape_cast %swap3A_67 : vector<16xi32> to vector<16xi32>
        %swap3A_69 = vector.shape_cast %add3A_64 : vector<16xi32> to vector<16xi32>
        tpu.vector_store %arg8[%swap3A], %swap3A_69 {strides = array<i32>} : memref<128xi32, #tpu.memory_space<vmem>>, vector<16xi32>,
      }
      %scan3A_35 = arith.constant 8 : i32
      %dma_wait3A_36 = arith.constant 0 : i32
      %dma_wait3A_37 = arith.constant 0 : i32
      %dma_wait3A_38 = tpu.memref_slice %arg2[%dma_wait3A_36, %dma_wait3A_37] : memref<20224x128xf32, #tpu.memory_space<hbm>> -> memref<20224x128xf32, #tpu.memory_space<hbm>>
      tpu.wait_indirect_dma semaphore(%arg14 : memref<!tpu.dma_semaphore, #tpu.memory_space<semaphore_mem>>) src(%dma_wait3A_38 : memref<20224x128xf32, #tpu.memory_space<hbm>>) dst(%arg11 : memref<128x128xf32, #tpu.memory_space<vmem>>)
      %dma_start3A_39 = arith.constant 0 : i32
      %dma_start3A_40 = arith.constant 0 : i32
      %dma_start3A_41 = tpu.memref_slice %arg2[%dma_start3A_39, %dma_start3A_40] : memref<20224x128xf32, #tpu.memory_space<hbm>> -> memref<20224x128xf32, #tpu.memory_space<hbm>>
      tpu.enqueue_indirect_dma source(%dma_start3A_41 : memref<20224x128xf32, #tpu.memory_space<hbm>>) target(%arg12 : memref<128x128xf32, #tpu.memory_space<vmem>>) offsets(%arg8 : memref<128xi32, #tpu.memory_space<vmem>>) semaphore(%arg15 : memref<!tpu.dma_semaphore, #tpu.memory_space<semaphore_mem>>)
      %add3A_42 = arith.constant 2 : i32
      %add3A_43 = arith.addi %mul3A_27, %add3A_42 : i32
      "tpu.region"() ({
        %run_scoped3A_58 = tpu.sem_alloc : memref<!tpu.dma_semaphore, #tpu.memory_space<semaphore_mem>>
        %dma_start3A_59 = arith.constant 0 : i32
        %dma_start3A_60 = tpu.memref_slice %arg3[%arg1, %add3A_43, %dma_start3A_59] : memref<16x159x128xi32, #tpu.memory_space<hbm>> -> memref<1x1x128xi32, #tpu.memory_space<hbm>>
        %dma_start3A_61 = tpu.memref_squeeze %dma_start3A_60 : memref<1x1x128xi32, #tpu.memory_space<hbm>> -> memref<128xi32, #tpu.memory_space<hbm>>
        %dma_start3A_62 = arith.constant 0 : i32
        %dma_start3A_63 = tpu.memref_slice %arg3[%arg1, %add3A_43, %dma_start3A_62] : memref<16x159x128xi32, #tpu.memory_space<hbm>> -> memref<1x1x128xi32, #tpu.memory_space<hbm>>
        %dma_start3A_64 = tpu.memref_squeeze %dma_start3A_63 : memref<1x1x128xi32, #tpu.memory_space<hbm>> -> memref<128xi32, #tpu.memory_space<hbm>>
        tpu.enqueue_dma source(%dma_start3A_64 : memref<128xi32, #tpu.memory_space<hbm>>) target(%arg7 : memref<128xi32, #tpu.memory_space<vmem>>) target_semaphore(%run_scoped3A_58 : memref<!tpu.dma_semaphore, #tpu.memory_space<semaphore_mem>>)
        %dma_wait3A_65 = arith.constant 0 : i32
        %dma_wait3A_66 = tpu.memref_slice %arg3[%arg1, %add3A_43, %dma_wait3A_65] : memref<16x159x128xi32, #tpu.memory_space<hbm>> -> memref<1x1x128xi32, #tpu.memory_space<hbm>>
        %dma_wait3A_67 = tpu.memref_squeeze %dma_wait3A_66 : memref<1x1x128xi32, #tpu.memory_space<hbm>> -> memref<128xi32, #tpu.memory_space<hbm>>
        %dma_wait3A_68 = arith.constant 0 : i32
        %dma_wait3A_69 = tpu.memref_slice %arg3[%arg1, %add3A_43, %dma_wait3A_68] : memref<16x159x128xi32, #tpu.memory_space<hbm>> -> memref<1x1x128xi32, #tpu.memory_space<hbm>>
        %dma_wait3A_70 = tpu.memref_squeeze %dma_wait3A_69 : memref<1x1x128xi32, #tpu.memory_space<hbm>> -> memref<128xi32, #tpu.memory_space<hbm>>
        tpu.wait_dma2 semaphore(%run_scoped3A_58 : memref<!tpu.dma_semaphore, #tpu.memory_space<semaphore_mem>>) src(%dma_wait3A_70 : memref<128xi32, #tpu.memory_space<hbm>>) dst(%arg7 : memref<128xi32, #tpu.memory_space<vmem>>)
        tpu.yield
      }) : () -> ()
      %scan3A_44 = arith.constant 0 : i32
      %scan3A_45 = arith.constant 0 : i32
      %scan3A_46 = arith.constant 8 : i32
      %scan3A_47 = arith.addi %scan3A_45, %scan3A_46 : i32
      %scan3A_48 = arith.constant 1 : i32
      scf.for %scan3A_58 = %scan3A_45 to %scan3A_47 step %scan3A_48  : i32 {
        %mul3A_59 = arith.constant 16 : i32
        %mul3A_60 = arith.muli %scan3A_58, %mul3A_59 : i32
        %get3A = arith.index_cast %mul3A_60 : i32 to index
        %get3A_61 = tpu.vector_load %arg7[%get3A] {strides = array<i32>} : memref<128xi32, #tpu.memory_space<vmem>>, vector<16xi32>,
        %get3A_62 = vector.shape_cast %get3A_61 : vector<16xi32> to vector<16xi32>
        %add3A_63 = vector.broadcast %mul3A_2 : i32 to vector<16xi32>
        %add3A_64 = arith.addi %get3A_62, %add3A_63 : vector<16xi32>
        %mul3A_65 = arith.constant 16 : i32
        %mul3A_66 = arith.muli %scan3A_58, %mul3A_65 : i32
        %swap3A = arith.index_cast %mul3A_66 : i32 to index
        %swap3A_67 = tpu.vector_load %arg7[%swap3A] {strides = array<i32>} : memref<128xi32, #tpu.memory_space<vmem>>, vector<16xi32>,
        %swap3A_68 = vector.shape_cast %swap3A_67 : vector<16xi32> to vector<16xi32>
        %swap3A_69 = vector.shape_cast %add3A_64 : vector<16xi32> to vector<16xi32>
        tpu.vector_store %arg7[%swap3A], %swap3A_69 {strides = array<i32>} : memref<128xi32, #tpu.memory_space<vmem>>, vector<16xi32>,
      }
      %scan3A_49 = arith.constant 8 : i32
      "tpu.region"() ({
        %run_scoped3A_58 = tpu.sem_alloc : memref<!tpu.dma_semaphore, #tpu.memory_space<semaphore_mem>>
        %dma_start3A_59 = arith.constant 0 : i32
        %dma_start3A_60 = arith.constant 0 : i32
        %dma_start3A_61 = tpu.memref_slice %arg13[%dma_start3A_59, %dma_start3A_60] : memref<10112x128xf32, #tpu.memory_space<vmem_shared>> -> memref<10112x128xf32, #tpu.memory_space<vmem_shared>>
        tpu.enqueue_indirect_dma source(%arg11 : memref<128x128xf32, #tpu.memory_space<vmem>>) target(%dma_start3A_61 : memref<10112x128xf32, #tpu.memory_space<vmem_shared>>) offsets(%arg9 : memref<128xi32, #tpu.memory_space<vmem>>) semaphore(%run_scoped3A_58 : memref<!tpu.dma_semaphore, #tpu.memory_space<semaphore_mem>>) {add = true}
        %dma_wait3A_62 = arith.constant 0 : i32
        %dma_wait3A_63 = arith.constant 0 : i32
        %dma_wait3A_64 = tpu.memref_slice %arg13[%dma_wait3A_62, %dma_wait3A_63] : memref<10112x128xf32, #tpu.memory_space<vmem_shared>> -> memref<10112x128xf32, #tpu.memory_space<vmem_shared>>
        tpu.wait_indirect_dma semaphore(%run_scoped3A_58 : memref<!tpu.dma_semaphore, #tpu.memory_space<semaphore_mem>>) src(%arg11 : memref<128x128xf32, #tpu.memory_space<vmem>>) dst(%dma_wait3A_64 : memref<10112x128xf32, #tpu.memory_space<vmem_shared>>)
        tpu.yield
      }) : () -> ()
      %dma_start3A_50 = arith.constant 0 : i32
      %dma_start3A_51 = arith.constant 0 : i32
      %dma_start3A_52 = tpu.memref_slice %arg2[%dma_start3A_50, %dma_start3A_51] : memref<20224x128xf32, #tpu.memory_space<hbm>> -> memref<20224x128xf32, #tpu.memory_space<hbm>>
      tpu.enqueue_indirect_dma source(%dma_start3A_52 : memref<20224x128xf32, #tpu.memory_space<hbm>>) target(%arg11 : memref<128x128xf32, #tpu.memory_space<vmem>>) offsets(%arg7 : memref<128xi32, #tpu.memory_space<vmem>>) semaphore(%arg14 : memref<!tpu.dma_semaphore, #tpu.memory_space<semaphore_mem>>)
      %add3A_53 = arith.constant 1 : i32
      %add3A_54 = arith.addi %mul3A_27, %add3A_53 : i32
      "tpu.region"() ({
        %run_scoped3A_58 = tpu.sem_alloc : memref<!tpu.dma_semaphore, #tpu.memory_space<semaphore_mem>>
        %dma_start3A_59 = arith.constant 0 : i32
        %dma_start3A_60 = tpu.memref_slice %arg4[%arg1, %add3A_54, %dma_start3A_59] : memref<16x158x128xi32, #tpu.memory_space<hbm>> -> memref<1x1x128xi32, #tpu.memory_space<hbm>>
        %dma_start3A_61 = tpu.memref_squeeze %dma_start3A_60 : memref<1x1x128xi32, #tpu.memory_space<hbm>> -> memref<128xi32, #tpu.memory_space<hbm>>
        %dma_start3A_62 = arith.constant 0 : i32
        %dma_start3A_63 = tpu.memref_slice %arg4[%arg1, %add3A_54, %dma_start3A_62] : memref<16x158x128xi32, #tpu.memory_space<hbm>> -> memref<1x1x128xi32, #tpu.memory_space<hbm>>
        %dma_start3A_64 = tpu.memref_squeeze %dma_start3A_63 : memref<1x1x128xi32, #tpu.memory_space<hbm>> -> memref<128xi32, #tpu.memory_space<hbm>>
        tpu.enqueue_dma source(%dma_start3A_64 : memref<128xi32, #tpu.memory_space<hbm>>) target(%arg10 : memref<128xi32, #tpu.memory_space<vmem>>) target_semaphore(%run_scoped3A_58 : memref<!tpu.dma_semaphore, #tpu.memory_space<semaphore_mem>>)
        %dma_wait3A_65 = arith.constant 0 : i32
        %dma_wait3A_66 = tpu.memref_slice %arg4[%arg1, %add3A_54, %dma_wait3A_65] : memref<16x158x128xi32, #tpu.memory_space<hbm>> -> memref<1x1x128xi32, #tpu.memory_space<hbm>>
        %dma_wait3A_67 = tpu.memref_squeeze %dma_wait3A_66 : memref<1x1x128xi32, #tpu.memory_space<hbm>> -> memref<128xi32, #tpu.memory_space<hbm>>
        %dma_wait3A_68 = arith.constant 0 : i32
        %dma_wait3A_69 = tpu.memref_slice %arg4[%arg1, %add3A_54, %dma_wait3A_68] : memref<16x158x128xi32, #tpu.memory_space<hbm>> -> memref<1x1x128xi32, #tpu.memory_space<hbm>>
        %dma_wait3A_70 = tpu.memref_squeeze %dma_wait3A_69 : memref<1x1x128xi32, #tpu.memory_space<hbm>> -> memref<128xi32, #tpu.memory_space<hbm>>
        tpu.wait_dma2 semaphore(%run_scoped3A_58 : memref<!tpu.dma_semaphore, #tpu.memory_space<semaphore_mem>>) src(%dma_wait3A_70 : memref<128xi32, #tpu.memory_space<hbm>>) dst(%arg10 : memref<128xi32, #tpu.memory_space<vmem>>)
        tpu.yield
      }) : () -> ()
      %dma_wait3A_55 = arith.constant 0 : i32
      %dma_wait3A_56 = arith.constant 0 : i32
      %dma_wait3A_57 = tpu.memref_slice %arg2[%dma_wait3A_55, %dma_wait3A_56] : memref<20224x128xf32, #tpu.memory_space<hbm>> -> memref<20224x128xf32, #tpu.memory_space<hbm>>
      tpu.wait_indirect_dma semaphore(%arg15 : memref<!tpu.dma_semaphore, #tpu.memory_space<semaphore_mem>>) src(%dma_wait3A_57 : memref<20224x128xf32, #tpu.memory_space<hbm>>) dst(%arg12 : memref<128x128xf32, #tpu.memory_space<vmem>>)
      "tpu.region"() ({
        %run_scoped3A_58 = tpu.sem_alloc : memref<!tpu.dma_semaphore, #tpu.memory_space<semaphore_mem>>
        %dma_start3A_59 = arith.constant 0 : i32
        %dma_start3A_60 = arith.constant 0 : i32
        %dma_start3A_61 = tpu.memref_slice %arg13[%dma_start3A_59, %dma_start3A_60] : memref<10112x128xf32, #tpu.memory_space<vmem_shared>> -> memref<10112x128xf32, #tpu.memory_space<vmem_shared>>
        tpu.enqueue_indirect_dma source(%arg12 : memref<128x128xf32, #tpu.memory_space<vmem>>) target(%dma_start3A_61 : memref<10112x128xf32, #tpu.memory_space<vmem_shared>>) offsets(%arg10 : memref<128xi32, #tpu.memory_space<vmem>>) semaphore(%run_scoped3A_58 : memref<!tpu.dma_semaphore, #tpu.memory_space<semaphore_mem>>) {add = true}
        %dma_wait3A_62 = arith.constant 0 : i32
        %dma_wait3A_63 = arith.constant 0 : i32
        %dma_wait3A_64 = tpu.memref_slice %arg13[%dma_wait3A_62, %dma_wait3A_63] : memref<10112x128xf32, #tpu.memory_space<vmem_shared>> -> memref<10112x128xf32, #tpu.memory_space<vmem_shared>>
        tpu.wait_indirect_dma semaphore(%run_scoped3A_58 : memref<!tpu.dma_semaphore, #tpu.memory_space<semaphore_mem>>) src(%arg12 : memref<128x128xf32, #tpu.memory_space<vmem>>) dst(%dma_wait3A_64 : memref<10112x128xf32, #tpu.memory_space<vmem_shared>>)
        tpu.yield
      }) : () -> ()
    }
    %scan3A_15 = arith.constant 79 : i32
    %dma_wait3A = arith.constant 0 : i32
    %dma_wait3A_16 = arith.constant 0 : i32
    %dma_wait3A_17 = tpu.memref_slice %arg2[%dma_wait3A, %dma_wait3A_16] : memref<20224x128xf32, #tpu.memory_space<hbm>> -> memref<20224x128xf32, #tpu.memory_space<hbm>>
    tpu.wait_indirect_dma semaphore(%arg14 : memref<!tpu.dma_semaphore, #tpu.memory_space<semaphore_mem>>) src(%dma_wait3A_17 : memref<20224x128xf32, #tpu.memory_space<hbm>>) dst(%arg11 : memref<128x128xf32, #tpu.memory_space<vmem>>)
    %barrier3A_18 = arith.constant 0 : index
    tpu.barrier barrier_id(%barrier3A_18)
    %mul3A_19 = arith.constant 632 : i32
    %mul3A_20 = arith.muli %arg1, %mul3A_19 : i32
    %mul3A_21 = arith.constant 10112 : i32
    %mul3A_22 = arith.muli %arg0, %mul3A_21 : i32
    %mul3A_23 = arith.constant 632 : i32
    %mul3A_24 = arith.muli %arg1, %mul3A_23 : i32
    %add3A = arith.addi %mul3A_22, %mul3A_24 : i32
    "tpu.region"() ({
      %run_scoped3A_25 = tpu.sem_alloc : memref<!tpu.dma_semaphore, #tpu.memory_space<semaphore_mem>>
      %dma_start3A_26 = arith.constant 0 : i32
      %dma_start3A_27 = tpu.memref_slice %arg6[%add3A, %dma_start3A_26] : memref<20224x128xf32, #tpu.memory_space<hbm>> -> memref<632x128xf32, #tpu.memory_space<hbm>>
      %dma_start3A_28 = arith.constant 0 : i32
      %dma_start3A_29 = tpu.memref_slice %arg13[%mul3A_20, %dma_start3A_28] : memref<10112x128xf32, #tpu.memory_space<vmem_shared>> -> memref<632x128xf32, #tpu.memory_space<vmem_shared>>
      tpu.enqueue_dma source(%dma_start3A_29 : memref<632x128xf32, #tpu.memory_space<vmem_shared>>) target(%dma_start3A_27 : memref<632x128xf32, #tpu.memory_space<hbm>>) target_semaphore(%run_scoped3A_25 : memref<!tpu.dma_semaphore, #tpu.memory_space<semaphore_mem>>)
      %dma_wait3A_30 = arith.constant 0 : i32
      %dma_wait3A_31 = tpu.memref_slice %arg6[%add3A, %dma_wait3A_30] : memref<20224x128xf32, #tpu.memory_space<hbm>> -> memref<632x128xf32, #tpu.memory_space<hbm>>
      %dma_wait3A_32 = arith.constant 0 : i32
      %dma_wait3A_33 = tpu.memref_slice %arg13[%mul3A_20, %dma_wait3A_32] : memref<10112x128xf32, #tpu.memory_space<vmem_shared>> -> memref<632x128xf32, #tpu.memory_space<vmem_shared>>
      tpu.wait_dma2 semaphore(%run_scoped3A_25 : memref<!tpu.dma_semaphore, #tpu.memory_space<semaphore_mem>>) src(%dma_wait3A_33 : memref<632x128xf32, #tpu.memory_space<vmem_shared>>) dst(%dma_wait3A_31 : memref<632x128xf32, #tpu.memory_space<hbm>>)
      tpu.yield
    }) : () -> ()
    return
  }
}

#map = affine_map<(d0, d1) -> (0, 0, 0, 0)>
#map1 = affine_map<(d0, d1) -> (0, 0)>
module attributes {stable_mosaic.version = 14 : i64} {
  func.func @deg_kernel(%arg0: i32, %arg1: i32, %arg2: memref<2x16x80x128xi32, #tpu.memory_space<hbm>>, %arg3: memref<128x128xf32, #tpu.memory_space<hbm>>, %arg4: memref<632x128xf32, #tpu.memory_space<hbm>>, %arg5: memref<20224x128xf32, #tpu.memory_space<hbm>>, %arg6: memref<128xi32, #tpu.memory_space<vmem>>, %arg7: memref<128xi32, #tpu.memory_space<vmem>>, %arg8: memref<128xi32, #tpu.memory_space<vmem>>, %arg9: memref<128xi32, #tpu.memory_space<vmem>>, %arg10: memref<128x128xf32, #tpu.memory_space<vmem>>, %arg11: memref<10120x128xf32, #tpu.memory_space<vmem_shared>>, %arg12: memref<!tpu.dma_semaphore, #tpu.memory_space<semaphore_mem>>) attributes {dimension_semantics = [#tpu.dimension_semantics<core_parallel>, #tpu.dimension_semantics<subcore_parallel>], iteration_bounds = array<i64: 2, 16>, scalar_prefetch = 0 : i64, scratch_operands = 7 : i64, tpu.core_type = #tpu.core_type<sc_vector_subcore>, window_params = [{transform_indices = #map}, {transform_indices = #map1}, {transform_indices = #map1}, {transform_indices = #map1}]} {
    %mul3A = arith.constant 632 : i32
    %mul3A_0 = arith.muli %arg1, %mul3A : i32
    "tpu.region"() ({
      %run_scoped3A = tpu.sem_alloc : memref<!tpu.dma_semaphore, #tpu.memory_space<semaphore_mem>>
      %dma_start3A = arith.constant 0 : i32
      %dma_start3A_13 = tpu.memref_slice %arg11[%mul3A_0, %dma_start3A] : memref<10120x128xf32, #tpu.memory_space<vmem_shared>> -> memref<632x128xf32, #tpu.memory_space<vmem_shared>>
      tpu.enqueue_dma source(%arg4 : memref<632x128xf32, #tpu.memory_space<hbm>>) target(%dma_start3A_13 : memref<632x128xf32, #tpu.memory_space<vmem_shared>>) target_semaphore(%run_scoped3A : memref<!tpu.dma_semaphore, #tpu.memory_space<semaphore_mem>>)
      %dma_wait3A = arith.constant 0 : i32
      %dma_wait3A_14 = tpu.memref_slice %arg11[%mul3A_0, %dma_wait3A] : memref<10120x128xf32, #tpu.memory_space<vmem_shared>> -> memref<632x128xf32, #tpu.memory_space<vmem_shared>>
      tpu.wait_dma2 semaphore(%run_scoped3A : memref<!tpu.dma_semaphore, #tpu.memory_space<semaphore_mem>>) src(%arg4 : memref<632x128xf32, #tpu.memory_space<hbm>>) dst(%dma_wait3A_14 : memref<632x128xf32, #tpu.memory_space<vmem_shared>>)
      tpu.yield
    }) : () -> ()
    "tpu.region"() ({
      %run_scoped3A = tpu.sem_alloc : memref<!tpu.dma_semaphore, #tpu.memory_space<semaphore_mem>>
      tpu.enqueue_dma source(%arg3 : memref<128x128xf32, #tpu.memory_space<hbm>>) target(%arg10 : memref<128x128xf32, #tpu.memory_space<vmem>>) target_semaphore(%run_scoped3A : memref<!tpu.dma_semaphore, #tpu.memory_space<semaphore_mem>>)
      tpu.wait_dma2 semaphore(%run_scoped3A : memref<!tpu.dma_semaphore, #tpu.memory_space<semaphore_mem>>) src(%arg3 : memref<128x128xf32, #tpu.memory_space<hbm>>) dst(%arg10 : memref<128x128xf32, #tpu.memory_space<vmem>>)
      tpu.yield
    }) : () -> ()
    %barrier3A = arith.constant 0 : index
    tpu.barrier barrier_id(%barrier3A)
    %scan3A = arith.constant 0 : i32
    %scan3A_1 = arith.constant 0 : i32
    %scan3A_2 = arith.constant 20 : i32
    %scan3A_3 = arith.addi %scan3A_1, %scan3A_2 : i32
    %scan3A_4 = arith.constant 1 : i32
    scf.for %scan3A_13 = %scan3A_1 to %scan3A_3 step %scan3A_4  : i32 {
      %mul3A_14 = arith.constant 4 : i32
      %mul3A_15 = arith.muli %scan3A_13, %mul3A_14 : i32
      %add3A_16 = arith.constant 0 : i32
      %add3A_17 = arith.addi %mul3A_15, %add3A_16 : i32
      "tpu.region"() ({
        %run_scoped3A = tpu.sem_alloc : memref<!tpu.dma_semaphore, #tpu.memory_space<semaphore_mem>>
        %dma_start3A_52 = arith.constant 0 : i32
        %dma_start3A_53 = tpu.memref_slice %arg2[%arg0, %arg1, %add3A_17, %dma_start3A_52] : memref<2x16x80x128xi32, #tpu.memory_space<hbm>> -> memref<1x1x1x128xi32, #tpu.memory_space<hbm>>
        %dma_start3A_54 = tpu.memref_squeeze %dma_start3A_53 : memref<1x1x1x128xi32, #tpu.memory_space<hbm>> -> memref<128xi32, #tpu.memory_space<hbm>>
        %dma_start3A_55 = arith.constant 0 : i32
        %dma_start3A_56 = tpu.memref_slice %arg2[%arg0, %arg1, %add3A_17, %dma_start3A_55] : memref<2x16x80x128xi32, #tpu.memory_space<hbm>> -> memref<1x1x1x128xi32, #tpu.memory_space<hbm>>
        %dma_start3A_57 = tpu.memref_squeeze %dma_start3A_56 : memref<1x1x1x128xi32, #tpu.memory_space<hbm>> -> memref<128xi32, #tpu.memory_space<hbm>>
        tpu.enqueue_dma source(%dma_start3A_57 : memref<128xi32, #tpu.memory_space<hbm>>) target(%arg6 : memref<128xi32, #tpu.memory_space<vmem>>) target_semaphore(%run_scoped3A : memref<!tpu.dma_semaphore, #tpu.memory_space<semaphore_mem>>)
        %dma_wait3A_58 = arith.constant 0 : i32
        %dma_wait3A_59 = tpu.memref_slice %arg2[%arg0, %arg1, %add3A_17, %dma_wait3A_58] : memref<2x16x80x128xi32, #tpu.memory_space<hbm>> -> memref<1x1x1x128xi32, #tpu.memory_space<hbm>>
        %dma_wait3A_60 = tpu.memref_squeeze %dma_wait3A_59 : memref<1x1x1x128xi32, #tpu.memory_space<hbm>> -> memref<128xi32, #tpu.memory_space<hbm>>
        %dma_wait3A_61 = arith.constant 0 : i32
        %dma_wait3A_62 = tpu.memref_slice %arg2[%arg0, %arg1, %add3A_17, %dma_wait3A_61] : memref<2x16x80x128xi32, #tpu.memory_space<hbm>> -> memref<1x1x1x128xi32, #tpu.memory_space<hbm>>
        %dma_wait3A_63 = tpu.memref_squeeze %dma_wait3A_62 : memref<1x1x1x128xi32, #tpu.memory_space<hbm>> -> memref<128xi32, #tpu.memory_space<hbm>>
        tpu.wait_dma2 semaphore(%run_scoped3A : memref<!tpu.dma_semaphore, #tpu.memory_space<semaphore_mem>>) src(%dma_wait3A_63 : memref<128xi32, #tpu.memory_space<hbm>>) dst(%arg6 : memref<128xi32, #tpu.memory_space<vmem>>)
        tpu.yield
      }) : () -> ()
      %dma_start3A = arith.constant 0 : i32
      %dma_start3A_18 = arith.constant 0 : i32
      %dma_start3A_19 = tpu.memref_slice %arg11[%dma_start3A, %dma_start3A_18] : memref<10120x128xf32, #tpu.memory_space<vmem_shared>> -> memref<10120x128xf32, #tpu.memory_space<vmem_shared>>
      tpu.enqueue_indirect_dma source(%arg10 : memref<128x128xf32, #tpu.memory_space<vmem>>) target(%dma_start3A_19 : memref<10120x128xf32, #tpu.memory_space<vmem_shared>>) offsets(%arg6 : memref<128xi32, #tpu.memory_space<vmem>>) semaphore(%arg12 : memref<!tpu.dma_semaphore, #tpu.memory_space<semaphore_mem>>) {add = true}
      %mul3A_20 = arith.constant 4 : i32
      %mul3A_21 = arith.muli %scan3A_13, %mul3A_20 : i32
      %add3A_22 = arith.constant 1 : i32
      %add3A_23 = arith.addi %mul3A_21, %add3A_22 : i32
      "tpu.region"() ({
        %run_scoped3A = tpu.sem_alloc : memref<!tpu.dma_semaphore, #tpu.memory_space<semaphore_mem>>
        %dma_start3A_52 = arith.constant 0 : i32
        %dma_start3A_53 = tpu.memref_slice %arg2[%arg0, %arg1, %add3A_23, %dma_start3A_52] : memref<2x16x80x128xi32, #tpu.memory_space<hbm>> -> memref<1x1x1x128xi32, #tpu.memory_space<hbm>>
        %dma_start3A_54 = tpu.memref_squeeze %dma_start3A_53 : memref<1x1x1x128xi32, #tpu.memory_space<hbm>> -> memref<128xi32, #tpu.memory_space<hbm>>
        %dma_start3A_55 = arith.constant 0 : i32
        %dma_start3A_56 = tpu.memref_slice %arg2[%arg0, %arg1, %add3A_23, %dma_start3A_55] : memref<2x16x80x128xi32, #tpu.memory_space<hbm>> -> memref<1x1x1x128xi32, #tpu.memory_space<hbm>>
        %dma_start3A_57 = tpu.memref_squeeze %dma_start3A_56 : memref<1x1x1x128xi32, #tpu.memory_space<hbm>> -> memref<128xi32, #tpu.memory_space<hbm>>
        tpu.enqueue_dma source(%dma_start3A_57 : memref<128xi32, #tpu.memory_space<hbm>>) target(%arg7 : memref<128xi32, #tpu.memory_space<vmem>>) target_semaphore(%run_scoped3A : memref<!tpu.dma_semaphore, #tpu.memory_space<semaphore_mem>>)
        %dma_wait3A_58 = arith.constant 0 : i32
        %dma_wait3A_59 = tpu.memref_slice %arg2[%arg0, %arg1, %add3A_23, %dma_wait3A_58] : memref<2x16x80x128xi32, #tpu.memory_space<hbm>> -> memref<1x1x1x128xi32, #tpu.memory_space<hbm>>
        %dma_wait3A_60 = tpu.memref_squeeze %dma_wait3A_59 : memref<1x1x1x128xi32, #tpu.memory_space<hbm>> -> memref<128xi32, #tpu.memory_space<hbm>>
        %dma_wait3A_61 = arith.constant 0 : i32
        %dma_wait3A_62 = tpu.memref_slice %arg2[%arg0, %arg1, %add3A_23, %dma_wait3A_61] : memref<2x16x80x128xi32, #tpu.memory_space<hbm>> -> memref<1x1x1x128xi32, #tpu.memory_space<hbm>>
        %dma_wait3A_63 = tpu.memref_squeeze %dma_wait3A_62 : memref<1x1x1x128xi32, #tpu.memory_space<hbm>> -> memref<128xi32, #tpu.memory_space<hbm>>
        tpu.wait_dma2 semaphore(%run_scoped3A : memref<!tpu.dma_semaphore, #tpu.memory_space<semaphore_mem>>) src(%dma_wait3A_63 : memref<128xi32, #tpu.memory_space<hbm>>) dst(%arg7 : memref<128xi32, #tpu.memory_space<vmem>>)
        tpu.yield
      }) : () -> ()
      %dma_start3A_24 = arith.constant 0 : i32
      %dma_start3A_25 = arith.constant 0 : i32
      %dma_start3A_26 = tpu.memref_slice %arg11[%dma_start3A_24, %dma_start3A_25] : memref<10120x128xf32, #tpu.memory_space<vmem_shared>> -> memref<10120x128xf32, #tpu.memory_space<vmem_shared>>
      tpu.enqueue_indirect_dma source(%arg10 : memref<128x128xf32, #tpu.memory_space<vmem>>) target(%dma_start3A_26 : memref<10120x128xf32, #tpu.memory_space<vmem_shared>>) offsets(%arg7 : memref<128xi32, #tpu.memory_space<vmem>>) semaphore(%arg12 : memref<!tpu.dma_semaphore, #tpu.memory_space<semaphore_mem>>) {add = true}
      %mul3A_27 = arith.constant 4 : i32
      %mul3A_28 = arith.muli %scan3A_13, %mul3A_27 : i32
      %add3A_29 = arith.constant 2 : i32
      %add3A_30 = arith.addi %mul3A_28, %add3A_29 : i32
      "tpu.region"() ({
        %run_scoped3A = tpu.sem_alloc : memref<!tpu.dma_semaphore, #tpu.memory_space<semaphore_mem>>
        %dma_start3A_52 = arith.constant 0 : i32
        %dma_start3A_53 = tpu.memref_slice %arg2[%arg0, %arg1, %add3A_30, %dma_start3A_52] : memref<2x16x80x128xi32, #tpu.memory_space<hbm>> -> memref<1x1x1x128xi32, #tpu.memory_space<hbm>>
        %dma_start3A_54 = tpu.memref_squeeze %dma_start3A_53 : memref<1x1x1x128xi32, #tpu.memory_space<hbm>> -> memref<128xi32, #tpu.memory_space<hbm>>
        %dma_start3A_55 = arith.constant 0 : i32
        %dma_start3A_56 = tpu.memref_slice %arg2[%arg0, %arg1, %add3A_30, %dma_start3A_55] : memref<2x16x80x128xi32, #tpu.memory_space<hbm>> -> memref<1x1x1x128xi32, #tpu.memory_space<hbm>>
        %dma_start3A_57 = tpu.memref_squeeze %dma_start3A_56 : memref<1x1x1x128xi32, #tpu.memory_space<hbm>> -> memref<128xi32, #tpu.memory_space<hbm>>
        tpu.enqueue_dma source(%dma_start3A_57 : memref<128xi32, #tpu.memory_space<hbm>>) target(%arg8 : memref<128xi32, #tpu.memory_space<vmem>>) target_semaphore(%run_scoped3A : memref<!tpu.dma_semaphore, #tpu.memory_space<semaphore_mem>>)
        %dma_wait3A_58 = arith.constant 0 : i32
        %dma_wait3A_59 = tpu.memref_slice %arg2[%arg0, %arg1, %add3A_30, %dma_wait3A_58] : memref<2x16x80x128xi32, #tpu.memory_space<hbm>> -> memref<1x1x1x128xi32, #tpu.memory_space<hbm>>
        %dma_wait3A_60 = tpu.memref_squeeze %dma_wait3A_59 : memref<1x1x1x128xi32, #tpu.memory_space<hbm>> -> memref<128xi32, #tpu.memory_space<hbm>>
        %dma_wait3A_61 = arith.constant 0 : i32
        %dma_wait3A_62 = tpu.memref_slice %arg2[%arg0, %arg1, %add3A_30, %dma_wait3A_61] : memref<2x16x80x128xi32, #tpu.memory_space<hbm>> -> memref<1x1x1x128xi32, #tpu.memory_space<hbm>>
        %dma_wait3A_63 = tpu.memref_squeeze %dma_wait3A_62 : memref<1x1x1x128xi32, #tpu.memory_space<hbm>> -> memref<128xi32, #tpu.memory_space<hbm>>
        tpu.wait_dma2 semaphore(%run_scoped3A : memref<!tpu.dma_semaphore, #tpu.memory_space<semaphore_mem>>) src(%dma_wait3A_63 : memref<128xi32, #tpu.memory_space<hbm>>) dst(%arg8 : memref<128xi32, #tpu.memory_space<vmem>>)
        tpu.yield
      }) : () -> ()
      %dma_start3A_31 = arith.constant 0 : i32
      %dma_start3A_32 = arith.constant 0 : i32
      %dma_start3A_33 = tpu.memref_slice %arg11[%dma_start3A_31, %dma_start3A_32] : memref<10120x128xf32, #tpu.memory_space<vmem_shared>> -> memref<10120x128xf32, #tpu.memory_space<vmem_shared>>
      tpu.enqueue_indirect_dma source(%arg10 : memref<128x128xf32, #tpu.memory_space<vmem>>) target(%dma_start3A_33 : memref<10120x128xf32, #tpu.memory_space<vmem_shared>>) offsets(%arg8 : memref<128xi32, #tpu.memory_space<vmem>>) semaphore(%arg12 : memref<!tpu.dma_semaphore, #tpu.memory_space<semaphore_mem>>) {add = true}
      %mul3A_34 = arith.constant 4 : i32
      %mul3A_35 = arith.muli %scan3A_13, %mul3A_34 : i32
      %add3A_36 = arith.constant 3 : i32
      %add3A_37 = arith.addi %mul3A_35, %add3A_36 : i32
      "tpu.region"() ({
        %run_scoped3A = tpu.sem_alloc : memref<!tpu.dma_semaphore, #tpu.memory_space<semaphore_mem>>
        %dma_start3A_52 = arith.constant 0 : i32
        %dma_start3A_53 = tpu.memref_slice %arg2[%arg0, %arg1, %add3A_37, %dma_start3A_52] : memref<2x16x80x128xi32, #tpu.memory_space<hbm>> -> memref<1x1x1x128xi32, #tpu.memory_space<hbm>>
        %dma_start3A_54 = tpu.memref_squeeze %dma_start3A_53 : memref<1x1x1x128xi32, #tpu.memory_space<hbm>> -> memref<128xi32, #tpu.memory_space<hbm>>
        %dma_start3A_55 = arith.constant 0 : i32
        %dma_start3A_56 = tpu.memref_slice %arg2[%arg0, %arg1, %add3A_37, %dma_start3A_55] : memref<2x16x80x128xi32, #tpu.memory_space<hbm>> -> memref<1x1x1x128xi32, #tpu.memory_space<hbm>>
        %dma_start3A_57 = tpu.memref_squeeze %dma_start3A_56 : memref<1x1x1x128xi32, #tpu.memory_space<hbm>> -> memref<128xi32, #tpu.memory_space<hbm>>
        tpu.enqueue_dma source(%dma_start3A_57 : memref<128xi32, #tpu.memory_space<hbm>>) target(%arg9 : memref<128xi32, #tpu.memory_space<vmem>>) target_semaphore(%run_scoped3A : memref<!tpu.dma_semaphore, #tpu.memory_space<semaphore_mem>>)
        %dma_wait3A_58 = arith.constant 0 : i32
        %dma_wait3A_59 = tpu.memref_slice %arg2[%arg0, %arg1, %add3A_37, %dma_wait3A_58] : memref<2x16x80x128xi32, #tpu.memory_space<hbm>> -> memref<1x1x1x128xi32, #tpu.memory_space<hbm>>
        %dma_wait3A_60 = tpu.memref_squeeze %dma_wait3A_59 : memref<1x1x1x128xi32, #tpu.memory_space<hbm>> -> memref<128xi32, #tpu.memory_space<hbm>>
        %dma_wait3A_61 = arith.constant 0 : i32
        %dma_wait3A_62 = tpu.memref_slice %arg2[%arg0, %arg1, %add3A_37, %dma_wait3A_61] : memref<2x16x80x128xi32, #tpu.memory_space<hbm>> -> memref<1x1x1x128xi32, #tpu.memory_space<hbm>>
        %dma_wait3A_63 = tpu.memref_squeeze %dma_wait3A_62 : memref<1x1x1x128xi32, #tpu.memory_space<hbm>> -> memref<128xi32, #tpu.memory_space<hbm>>
        tpu.wait_dma2 semaphore(%run_scoped3A : memref<!tpu.dma_semaphore, #tpu.memory_space<semaphore_mem>>) src(%dma_wait3A_63 : memref<128xi32, #tpu.memory_space<hbm>>) dst(%arg9 : memref<128xi32, #tpu.memory_space<vmem>>)
        tpu.yield
      }) : () -> ()
      %dma_start3A_38 = arith.constant 0 : i32
      %dma_start3A_39 = arith.constant 0 : i32
      %dma_start3A_40 = tpu.memref_slice %arg11[%dma_start3A_38, %dma_start3A_39] : memref<10120x128xf32, #tpu.memory_space<vmem_shared>> -> memref<10120x128xf32, #tpu.memory_space<vmem_shared>>
      tpu.enqueue_indirect_dma source(%arg10 : memref<128x128xf32, #tpu.memory_space<vmem>>) target(%dma_start3A_40 : memref<10120x128xf32, #tpu.memory_space<vmem_shared>>) offsets(%arg9 : memref<128xi32, #tpu.memory_space<vmem>>) semaphore(%arg12 : memref<!tpu.dma_semaphore, #tpu.memory_space<semaphore_mem>>) {add = true}
      %dma_wait3A = arith.constant 0 : i32
      %dma_wait3A_41 = arith.constant 0 : i32
      %dma_wait3A_42 = tpu.memref_slice %arg11[%dma_wait3A, %dma_wait3A_41] : memref<10120x128xf32, #tpu.memory_space<vmem_shared>> -> memref<10120x128xf32, #tpu.memory_space<vmem_shared>>
      tpu.wait_indirect_dma semaphore(%arg12 : memref<!tpu.dma_semaphore, #tpu.memory_space<semaphore_mem>>) src(%arg10 : memref<128x128xf32, #tpu.memory_space<vmem>>) dst(%dma_wait3A_42 : memref<10120x128xf32, #tpu.memory_space<vmem_shared>>)
      %dma_wait3A_43 = arith.constant 0 : i32
      %dma_wait3A_44 = arith.constant 0 : i32
      %dma_wait3A_45 = tpu.memref_slice %arg11[%dma_wait3A_43, %dma_wait3A_44] : memref<10120x128xf32, #tpu.memory_space<vmem_shared>> -> memref<10120x128xf32, #tpu.memory_space<vmem_shared>>
      tpu.wait_indirect_dma semaphore(%arg12 : memref<!tpu.dma_semaphore, #tpu.memory_space<semaphore_mem>>) src(%arg10 : memref<128x128xf32, #tpu.memory_space<vmem>>) dst(%dma_wait3A_45 : memref<10120x128xf32, #tpu.memory_space<vmem_shared>>)
      %dma_wait3A_46 = arith.constant 0 : i32
      %dma_wait3A_47 = arith.constant 0 : i32
      %dma_wait3A_48 = tpu.memref_slice %arg11[%dma_wait3A_46, %dma_wait3A_47] : memref<10120x128xf32, #tpu.memory_space<vmem_shared>> -> memref<10120x128xf32, #tpu.memory_space<vmem_shared>>
      tpu.wait_indirect_dma semaphore(%arg12 : memref<!tpu.dma_semaphore, #tpu.memory_space<semaphore_mem>>) src(%arg10 : memref<128x128xf32, #tpu.memory_space<vmem>>) dst(%dma_wait3A_48 : memref<10120x128xf32, #tpu.memory_space<vmem_shared>>)
      %dma_wait3A_49 = arith.constant 0 : i32
      %dma_wait3A_50 = arith.constant 0 : i32
      %dma_wait3A_51 = tpu.memref_slice %arg11[%dma_wait3A_49, %dma_wait3A_50] : memref<10120x128xf32, #tpu.memory_space<vmem_shared>> -> memref<10120x128xf32, #tpu.memory_space<vmem_shared>>
      tpu.wait_indirect_dma semaphore(%arg12 : memref<!tpu.dma_semaphore, #tpu.memory_space<semaphore_mem>>) src(%arg10 : memref<128x128xf32, #tpu.memory_space<vmem>>) dst(%dma_wait3A_51 : memref<10120x128xf32, #tpu.memory_space<vmem_shared>>)
    }
    %scan3A_5 = arith.constant 20 : i32
    %barrier3A_6 = arith.constant 0 : index
    tpu.barrier barrier_id(%barrier3A_6)
    %mul3A_7 = arith.constant 632 : i32
    %mul3A_8 = arith.muli %arg1, %mul3A_7 : i32
    %mul3A_9 = arith.constant 10112 : i32
    %mul3A_10 = arith.muli %arg0, %mul3A_9 : i32
    %mul3A_11 = arith.constant 632 : i32
    %mul3A_12 = arith.muli %arg1, %mul3A_11 : i32
    %add3A = arith.addi %mul3A_10, %mul3A_12 : i32
    "tpu.region"() ({
      %run_scoped3A = tpu.sem_alloc : memref<!tpu.dma_semaphore, #tpu.memory_space<semaphore_mem>>
      %dma_start3A = arith.constant 0 : i32
      %dma_start3A_13 = tpu.memref_slice %arg5[%add3A, %dma_start3A] : memref<20224x128xf32, #tpu.memory_space<hbm>> -> memref<632x128xf32, #tpu.memory_space<hbm>>
      %dma_start3A_14 = arith.constant 0 : i32
      %dma_start3A_15 = tpu.memref_slice %arg11[%mul3A_8, %dma_start3A_14] : memref<10120x128xf32, #tpu.memory_space<vmem_shared>> -> memref<632x128xf32, #tpu.memory_space<vmem_shared>>
      tpu.enqueue_dma source(%dma_start3A_15 : memref<632x128xf32, #tpu.memory_space<vmem_shared>>) target(%dma_start3A_13 : memref<632x128xf32, #tpu.memory_space<hbm>>) target_semaphore(%run_scoped3A : memref<!tpu.dma_semaphore, #tpu.memory_space<semaphore_mem>>)
      %dma_wait3A = arith.constant 0 : i32
      %dma_wait3A_16 = tpu.memref_slice %arg5[%add3A, %dma_wait3A] : memref<20224x128xf32, #tpu.memory_space<hbm>> -> memref<632x128xf32, #tpu.memory_space<hbm>>
      %dma_wait3A_17 = arith.constant 0 : i32
      %dma_wait3A_18 = tpu.memref_slice %arg11[%mul3A_8, %dma_wait3A_17] : memref<10120x128xf32, #tpu.memory_space<vmem_shared>> -> memref<632x128xf32, #tpu.memory_space<vmem_shared>>
      tpu.wait_dma2 semaphore(%run_scoped3A : memref<!tpu.dma_semaphore, #tpu.memory_space<semaphore_mem>>) src(%dma_wait3A_18 : memref<632x128xf32, #tpu.memory_space<vmem_shared>>) dst(%dma_wait3A_16 : memref<632x128xf32, #tpu.memory_space<hbm>>)
      tpu.yield
    }) : () -> ()
    return
  }
}

#map = affine_map<(d0, d1) -> (0, 0)>
#map1 = affine_map<(d0, d1) -> (0, 0, 0)>
module attributes {stable_mosaic.version = 14 : i64} {
  func.func @conv_kernel(%arg0: i32, %arg1: i32, %arg2: memref<20224x128xf32, #tpu.memory_space<hbm>>, %arg3: memref<16x159x128xi32, #tpu.memory_space<hbm>>, %arg4: memref<16x158x128xi32, #tpu.memory_space<hbm>>, %arg5: memref<632x128xf32, #tpu.memory_space<hbm>>, %arg6: memref<20224x128xf32, #tpu.memory_space<hbm>>, %arg7: memref<128xi32, #tpu.memory_space<vmem>>, %arg8: memref<128xi32, #tpu.memory_space<vmem>>, %arg9: memref<128xi32, #tpu.memory_space<vmem>>, %arg10: memref<128xi32, #tpu.memory_space<vmem>>, %arg11: memref<128x128xf32, #tpu.memory_space<vmem>>, %arg12: memref<128x128xf32, #tpu.memory_space<vmem>>, %arg13: memref<10112x128xf32, #tpu.memory_space<vmem_shared>>, %arg14: memref<!tpu.dma_semaphore, #tpu.memory_space<semaphore_mem>>, %arg15: memref<!tpu.dma_semaphore, #tpu.memory_space<semaphore_mem>>) attributes {dimension_semantics = [#tpu.dimension_semantics<core_parallel>, #tpu.dimension_semantics<subcore_parallel>], iteration_bounds = array<i64: 2, 16>, scalar_prefetch = 0 : i64, scratch_operands = 9 : i64, tpu.core_type = #tpu.core_type<sc_vector_subcore>, window_params = [{transform_indices = #map}, {transform_indices = #map1}, {transform_indices = #map1}, {transform_indices = #map}, {transform_indices = #map}]} {
    %mul3A = arith.constant 632 : i32
    %mul3A_0 = arith.muli %arg1, %mul3A : i32
    "tpu.region"() ({
      %run_scoped3A_25 = tpu.sem_alloc : memref<!tpu.dma_semaphore, #tpu.memory_space<semaphore_mem>>
      %dma_start3A_26 = arith.constant 0 : i32
      %dma_start3A_27 = tpu.memref_slice %arg13[%mul3A_0, %dma_start3A_26] : memref<10112x128xf32, #tpu.memory_space<vmem_shared>> -> memref<632x128xf32, #tpu.memory_space<vmem_shared>>
      tpu.enqueue_dma source(%arg5 : memref<632x128xf32, #tpu.memory_space<hbm>>) target(%dma_start3A_27 : memref<632x128xf32, #tpu.memory_space<vmem_shared>>) target_semaphore(%run_scoped3A_25 : memref<!tpu.dma_semaphore, #tpu.memory_space<semaphore_mem>>)
      %dma_wait3A_28 = arith.constant 0 : i32
      %dma_wait3A_29 = tpu.memref_slice %arg13[%mul3A_0, %dma_wait3A_28] : memref<10112x128xf32, #tpu.memory_space<vmem_shared>> -> memref<632x128xf32, #tpu.memory_space<vmem_shared>>
      tpu.wait_dma2 semaphore(%run_scoped3A_25 : memref<!tpu.dma_semaphore, #tpu.memory_space<semaphore_mem>>) src(%arg5 : memref<632x128xf32, #tpu.memory_space<hbm>>) dst(%dma_wait3A_29 : memref<632x128xf32, #tpu.memory_space<vmem_shared>>)
      tpu.yield
    }) : () -> ()
    %barrier3A = arith.constant 0 : index
    tpu.barrier barrier_id(%barrier3A)
    %mul3A_1 = arith.constant 10112 : i32
    %mul3A_2 = arith.muli %arg0, %mul3A_1 : i32
    %run_scoped3A = arith.constant 0 : i32
    "tpu.region"() ({
      %run_scoped3A_25 = tpu.sem_alloc : memref<!tpu.dma_semaphore, #tpu.memory_space<semaphore_mem>>
      %dma_start3A_26 = arith.constant 0 : i32
      %dma_start3A_27 = tpu.memref_slice %arg3[%arg1, %run_scoped3A, %dma_start3A_26] : memref<16x159x128xi32, #tpu.memory_space<hbm>> -> memref<1x1x128xi32, #tpu.memory_space<hbm>>
      %dma_start3A_28 = tpu.memref_squeeze %dma_start3A_27 : memref<1x1x128xi32, #tpu.memory_space<hbm>> -> memref<128xi32, #tpu.memory_space<hbm>>
      %dma_start3A_29 = arith.constant 0 : i32
      %dma_start3A_30 = tpu.memref_slice %arg3[%arg1, %run_scoped3A, %dma_start3A_29] : memref<16x159x128xi32, #tpu.memory_space<hbm>> -> memref<1x1x128xi32, #tpu.memory_space<hbm>>
      %dma_start3A_31 = tpu.memref_squeeze %dma_start3A_30 : memref<1x1x128xi32, #tpu.memory_space<hbm>> -> memref<128xi32, #tpu.memory_space<hbm>>
      tpu.enqueue_dma source(%dma_start3A_31 : memref<128xi32, #tpu.memory_space<hbm>>) target(%arg7 : memref<128xi32, #tpu.memory_space<vmem>>) target_semaphore(%run_scoped3A_25 : memref<!tpu.dma_semaphore, #tpu.memory_space<semaphore_mem>>)
      %dma_wait3A_32 = arith.constant 0 : i32
      %dma_wait3A_33 = tpu.memref_slice %arg3[%arg1, %run_scoped3A, %dma_wait3A_32] : memref<16x159x128xi32, #tpu.memory_space<hbm>> -> memref<1x1x128xi32, #tpu.memory_space<hbm>>
      %dma_wait3A_34 = tpu.memref_squeeze %dma_wait3A_33 : memref<1x1x128xi32, #tpu.memory_space<hbm>> -> memref<128xi32, #tpu.memory_space<hbm>>
      %dma_wait3A_35 = arith.constant 0 : i32
      %dma_wait3A_36 = tpu.memref_slice %arg3[%arg1, %run_scoped3A, %dma_wait3A_35] : memref<16x159x128xi32, #tpu.memory_space<hbm>> -> memref<1x1x128xi32, #tpu.memory_space<hbm>>
      %dma_wait3A_37 = tpu.memref_squeeze %dma_wait3A_36 : memref<1x1x128xi32, #tpu.memory_space<hbm>> -> memref<128xi32, #tpu.memory_space<hbm>>
      tpu.wait_dma2 semaphore(%run_scoped3A_25 : memref<!tpu.dma_semaphore, #tpu.memory_space<semaphore_mem>>) src(%dma_wait3A_37 : memref<128xi32, #tpu.memory_space<hbm>>) dst(%arg7 : memref<128xi32, #tpu.memory_space<vmem>>)
      tpu.yield
    }) : () -> ()
    %scan3A = arith.constant 0 : i32
    %scan3A_3 = arith.constant 0 : i32
    %scan3A_4 = arith.constant 8 : i32
    %scan3A_5 = arith.addi %scan3A_3, %scan3A_4 : i32
    %scan3A_6 = arith.constant 1 : i32
    scf.for %scan3A_25 = %scan3A_3 to %scan3A_5 step %scan3A_6  : i32 {
      %mul3A_26 = arith.constant 16 : i32
      %mul3A_27 = arith.muli %scan3A_25, %mul3A_26 : i32
      %get3A = arith.index_cast %mul3A_27 : i32 to index
      %get3A_28 = tpu.vector_load %arg7[%get3A] {strides = array<i32>} : memref<128xi32, #tpu.memory_space<vmem>>, vector<16xi32>,
      %get3A_29 = vector.shape_cast %get3A_28 : vector<16xi32> to vector<16xi32>
      %add3A_30 = vector.broadcast %mul3A_2 : i32 to vector<16xi32>
      %add3A_31 = arith.addi %get3A_29, %add3A_30 : vector<16xi32>
      %mul3A_32 = arith.constant 16 : i32
      %mul3A_33 = arith.muli %scan3A_25, %mul3A_32 : i32
      %swap3A = arith.index_cast %mul3A_33 : i32 to index
      %swap3A_34 = tpu.vector_load %arg7[%swap3A] {strides = array<i32>} : memref<128xi32, #tpu.memory_space<vmem>>, vector<16xi32>,
      %swap3A_35 = vector.shape_cast %swap3A_34 : vector<16xi32> to vector<16xi32>
      %swap3A_36 = vector.shape_cast %add3A_31 : vector<16xi32> to vector<16xi32>
      tpu.vector_store %arg7[%swap3A], %swap3A_36 {strides = array<i32>} : memref<128xi32, #tpu.memory_space<vmem>>, vector<16xi32>,
    }
    %scan3A_7 = arith.constant 8 : i32
    %dma_start3A = arith.constant 0 : i32
    %dma_start3A_8 = arith.constant 0 : i32
    %dma_start3A_9 = tpu.memref_slice %arg2[%dma_start3A, %dma_start3A_8] : memref<20224x128xf32, #tpu.memory_space<hbm>> -> memref<20224x128xf32, #tpu.memory_space<hbm>>
    tpu.enqueue_indirect_dma source(%dma_start3A_9 : memref<20224x128xf32, #tpu.memory_space<hbm>>) target(%arg11 : memref<128x128xf32, #tpu.memory_space<vmem>>) offsets(%arg7 : memref<128xi32, #tpu.memory_space<vmem>>) semaphore(%arg14 : memref<!tpu.dma_semaphore, #tpu.memory_space<semaphore_mem>>)
    %scan3A_10 = arith.constant 0 : i32
    %scan3A_11 = arith.constant 0 : i32
    %scan3A_12 = arith.constant 79 : i32
    %scan3A_13 = arith.addi %scan3A_11, %scan3A_12 : i32
    %scan3A_14 = arith.constant 1 : i32
    scf.for %scan3A_25 = %scan3A_11 to %scan3A_13 step %scan3A_14  : i32 {
      %mul3A_26 = arith.constant 2 : i32
      %mul3A_27 = arith.muli %scan3A_25, %mul3A_26 : i32
      "tpu.region"() ({
        %run_scoped3A_58 = tpu.sem_alloc : memref<!tpu.dma_semaphore, #tpu.memory_space<semaphore_mem>>
        %dma_start3A_59 = arith.constant 0 : i32
        %dma_start3A_60 = tpu.memref_slice %arg4[%arg1, %mul3A_27, %dma_start3A_59] : memref<16x158x128xi32, #tpu.memory_space<hbm>> -> memref<1x1x128xi32, #tpu.memory_space<hbm>>
        %dma_start3A_61 = tpu.memref_squeeze %dma_start3A_60 : memref<1x1x128xi32, #tpu.memory_space<hbm>> -> memref<128xi32, #tpu.memory_space<hbm>>
        %dma_start3A_62 = arith.constant 0 : i32
        %dma_start3A_63 = tpu.memref_slice %arg4[%arg1, %mul3A_27, %dma_start3A_62] : memref<16x158x128xi32, #tpu.memory_space<hbm>> -> memref<1x1x128xi32, #tpu.memory_space<hbm>>
        %dma_start3A_64 = tpu.memref_squeeze %dma_start3A_63 : memref<1x1x128xi32, #tpu.memory_space<hbm>> -> memref<128xi32, #tpu.memory_space<hbm>>
        tpu.enqueue_dma source(%dma_start3A_64 : memref<128xi32, #tpu.memory_space<hbm>>) target(%arg9 : memref<128xi32, #tpu.memory_space<vmem>>) target_semaphore(%run_scoped3A_58 : memref<!tpu.dma_semaphore, #tpu.memory_space<semaphore_mem>>)
        %dma_wait3A_65 = arith.constant 0 : i32
        %dma_wait3A_66 = tpu.memref_slice %arg4[%arg1, %mul3A_27, %dma_wait3A_65] : memref<16x158x128xi32, #tpu.memory_space<hbm>> -> memref<1x1x128xi32, #tpu.memory_space<hbm>>
        %dma_wait3A_67 = tpu.memref_squeeze %dma_wait3A_66 : memref<1x1x128xi32, #tpu.memory_space<hbm>> -> memref<128xi32, #tpu.memory_space<hbm>>
        %dma_wait3A_68 = arith.constant 0 : i32
        %dma_wait3A_69 = tpu.memref_slice %arg4[%arg1, %mul3A_27, %dma_wait3A_68] : memref<16x158x128xi32, #tpu.memory_space<hbm>> -> memref<1x1x128xi32, #tpu.memory_space<hbm>>
        %dma_wait3A_70 = tpu.memref_squeeze %dma_wait3A_69 : memref<1x1x128xi32, #tpu.memory_space<hbm>> -> memref<128xi32, #tpu.memory_space<hbm>>
        tpu.wait_dma2 semaphore(%run_scoped3A_58 : memref<!tpu.dma_semaphore, #tpu.memory_space<semaphore_mem>>) src(%dma_wait3A_70 : memref<128xi32, #tpu.memory_space<hbm>>) dst(%arg9 : memref<128xi32, #tpu.memory_space<vmem>>)
        tpu.yield
      }) : () -> ()
      %add3A_28 = arith.constant 1 : i32
      %add3A_29 = arith.addi %mul3A_27, %add3A_28 : i32
      "tpu.region"() ({
        %run_scoped3A_58 = tpu.sem_alloc : memref<!tpu.dma_semaphore, #tpu.memory_space<semaphore_mem>>
        %dma_start3A_59 = arith.constant 0 : i32
        %dma_start3A_60 = tpu.memref_slice %arg3[%arg1, %add3A_29, %dma_start3A_59] : memref<16x159x128xi32, #tpu.memory_space<hbm>> -> memref<1x1x128xi32, #tpu.memory_space<hbm>>
        %dma_start3A_61 = tpu.memref_squeeze %dma_start3A_60 : memref<1x1x128xi32, #tpu.memory_space<hbm>> -> memref<128xi32, #tpu.memory_space<hbm>>
        %dma_start3A_62 = arith.constant 0 : i32
        %dma_start3A_63 = tpu.memref_slice %arg3[%arg1, %add3A_29, %dma_start3A_62] : memref<16x159x128xi32, #tpu.memory_space<hbm>> -> memref<1x1x128xi32, #tpu.memory_space<hbm>>
        %dma_start3A_64 = tpu.memref_squeeze %dma_start3A_63 : memref<1x1x128xi32, #tpu.memory_space<hbm>> -> memref<128xi32, #tpu.memory_space<hbm>>
        tpu.enqueue_dma source(%dma_start3A_64 : memref<128xi32, #tpu.memory_space<hbm>>) target(%arg8 : memref<128xi32, #tpu.memory_space<vmem>>) target_semaphore(%run_scoped3A_58 : memref<!tpu.dma_semaphore, #tpu.memory_space<semaphore_mem>>)
        %dma_wait3A_65 = arith.constant 0 : i32
        %dma_wait3A_66 = tpu.memref_slice %arg3[%arg1, %add3A_29, %dma_wait3A_65] : memref<16x159x128xi32, #tpu.memory_space<hbm>> -> memref<1x1x128xi32, #tpu.memory_space<hbm>>
        %dma_wait3A_67 = tpu.memref_squeeze %dma_wait3A_66 : memref<1x1x128xi32, #tpu.memory_space<hbm>> -> memref<128xi32, #tpu.memory_space<hbm>>
        %dma_wait3A_68 = arith.constant 0 : i32
        %dma_wait3A_69 = tpu.memref_slice %arg3[%arg1, %add3A_29, %dma_wait3A_68] : memref<16x159x128xi32, #tpu.memory_space<hbm>> -> memref<1x1x128xi32, #tpu.memory_space<hbm>>
        %dma_wait3A_70 = tpu.memref_squeeze %dma_wait3A_69 : memref<1x1x128xi32, #tpu.memory_space<hbm>> -> memref<128xi32, #tpu.memory_space<hbm>>
        tpu.wait_dma2 semaphore(%run_scoped3A_58 : memref<!tpu.dma_semaphore, #tpu.memory_space<semaphore_mem>>) src(%dma_wait3A_70 : memref<128xi32, #tpu.memory_space<hbm>>) dst(%arg8 : memref<128xi32, #tpu.memory_space<vmem>>)
        tpu.yield
      }) : () -> ()
      %scan3A_30 = arith.constant 0 : i32
      %scan3A_31 = arith.constant 0 : i32
      %scan3A_32 = arith.constant 8 : i32
      %scan3A_33 = arith.addi %scan3A_31, %scan3A_32 : i32
      %scan3A_34 = arith.constant 1 : i32
      scf.for %scan3A_58 = %scan3A_31 to %scan3A_33 step %scan3A_34  : i32 {
        %mul3A_59 = arith.constant 16 : i32
        %mul3A_60 = arith.muli %scan3A_58, %mul3A_59 : i32
        %get3A = arith.index_cast %mul3A_60 : i32 to index
        %get3A_61 = tpu.vector_load %arg8[%get3A] {strides = array<i32>} : memref<128xi32, #tpu.memory_space<vmem>>, vector<16xi32>,
        %get3A_62 = vector.shape_cast %get3A_61 : vector<16xi32> to vector<16xi32>
        %add3A_63 = vector.broadcast %mul3A_2 : i32 to vector<16xi32>
        %add3A_64 = arith.addi %get3A_62, %add3A_63 : vector<16xi32>
        %mul3A_65 = arith.constant 16 : i32
        %mul3A_66 = arith.muli %scan3A_58, %mul3A_65 : i32
        %swap3A = arith.index_cast %mul3A_66 : i32 to index
        %swap3A_67 = tpu.vector_load %arg8[%swap3A] {strides = array<i32>} : memref<128xi32, #tpu.memory_space<vmem>>, vector<16xi32>,
        %swap3A_68 = vector.shape_cast %swap3A_67 : vector<16xi32> to vector<16xi32>
        %swap3A_69 = vector.shape_cast %add3A_64 : vector<16xi32> to vector<16xi32>
        tpu.vector_store %arg8[%swap3A], %swap3A_69 {strides = array<i32>} : memref<128xi32, #tpu.memory_space<vmem>>, vector<16xi32>,
      }
      %scan3A_35 = arith.constant 8 : i32
      %dma_wait3A_36 = arith.constant 0 : i32
      %dma_wait3A_37 = arith.constant 0 : i32
      %dma_wait3A_38 = tpu.memref_slice %arg2[%dma_wait3A_36, %dma_wait3A_37] : memref<20224x128xf32, #tpu.memory_space<hbm>> -> memref<20224x128xf32, #tpu.memory_space<hbm>>
      tpu.wait_indirect_dma semaphore(%arg14 : memref<!tpu.dma_semaphore, #tpu.memory_space<semaphore_mem>>) src(%dma_wait3A_38 : memref<20224x128xf32, #tpu.memory_space<hbm>>) dst(%arg11 : memref<128x128xf32, #tpu.memory_space<vmem>>)
      %dma_start3A_39 = arith.constant 0 : i32
      %dma_start3A_40 = arith.constant 0 : i32
      %dma_start3A_41 = tpu.memref_slice %arg2[%dma_start3A_39, %dma_start3A_40] : memref<20224x128xf32, #tpu.memory_space<hbm>> -> memref<20224x128xf32, #tpu.memory_space<hbm>>
      tpu.enqueue_indirect_dma source(%dma_start3A_41 : memref<20224x128xf32, #tpu.memory_space<hbm>>) target(%arg12 : memref<128x128xf32, #tpu.memory_space<vmem>>) offsets(%arg8 : memref<128xi32, #tpu.memory_space<vmem>>) semaphore(%arg15 : memref<!tpu.dma_semaphore, #tpu.memory_space<semaphore_mem>>)
      %add3A_42 = arith.constant 2 : i32
      %add3A_43 = arith.addi %mul3A_27, %add3A_42 : i32
      "tpu.region"() ({
        %run_scoped3A_58 = tpu.sem_alloc : memref<!tpu.dma_semaphore, #tpu.memory_space<semaphore_mem>>
        %dma_start3A_59 = arith.constant 0 : i32
        %dma_start3A_60 = tpu.memref_slice %arg3[%arg1, %add3A_43, %dma_start3A_59] : memref<16x159x128xi32, #tpu.memory_space<hbm>> -> memref<1x1x128xi32, #tpu.memory_space<hbm>>
        %dma_start3A_61 = tpu.memref_squeeze %dma_start3A_60 : memref<1x1x128xi32, #tpu.memory_space<hbm>> -> memref<128xi32, #tpu.memory_space<hbm>>
        %dma_start3A_62 = arith.constant 0 : i32
        %dma_start3A_63 = tpu.memref_slice %arg3[%arg1, %add3A_43, %dma_start3A_62] : memref<16x159x128xi32, #tpu.memory_space<hbm>> -> memref<1x1x128xi32, #tpu.memory_space<hbm>>
        %dma_start3A_64 = tpu.memref_squeeze %dma_start3A_63 : memref<1x1x128xi32, #tpu.memory_space<hbm>> -> memref<128xi32, #tpu.memory_space<hbm>>
        tpu.enqueue_dma source(%dma_start3A_64 : memref<128xi32, #tpu.memory_space<hbm>>) target(%arg7 : memref<128xi32, #tpu.memory_space<vmem>>) target_semaphore(%run_scoped3A_58 : memref<!tpu.dma_semaphore, #tpu.memory_space<semaphore_mem>>)
        %dma_wait3A_65 = arith.constant 0 : i32
        %dma_wait3A_66 = tpu.memref_slice %arg3[%arg1, %add3A_43, %dma_wait3A_65] : memref<16x159x128xi32, #tpu.memory_space<hbm>> -> memref<1x1x128xi32, #tpu.memory_space<hbm>>
        %dma_wait3A_67 = tpu.memref_squeeze %dma_wait3A_66 : memref<1x1x128xi32, #tpu.memory_space<hbm>> -> memref<128xi32, #tpu.memory_space<hbm>>
        %dma_wait3A_68 = arith.constant 0 : i32
        %dma_wait3A_69 = tpu.memref_slice %arg3[%arg1, %add3A_43, %dma_wait3A_68] : memref<16x159x128xi32, #tpu.memory_space<hbm>> -> memref<1x1x128xi32, #tpu.memory_space<hbm>>
        %dma_wait3A_70 = tpu.memref_squeeze %dma_wait3A_69 : memref<1x1x128xi32, #tpu.memory_space<hbm>> -> memref<128xi32, #tpu.memory_space<hbm>>
        tpu.wait_dma2 semaphore(%run_scoped3A_58 : memref<!tpu.dma_semaphore, #tpu.memory_space<semaphore_mem>>) src(%dma_wait3A_70 : memref<128xi32, #tpu.memory_space<hbm>>) dst(%arg7 : memref<128xi32, #tpu.memory_space<vmem>>)
        tpu.yield
      }) : () -> ()
      %scan3A_44 = arith.constant 0 : i32
      %scan3A_45 = arith.constant 0 : i32
      %scan3A_46 = arith.constant 8 : i32
      %scan3A_47 = arith.addi %scan3A_45, %scan3A_46 : i32
      %scan3A_48 = arith.constant 1 : i32
      scf.for %scan3A_58 = %scan3A_45 to %scan3A_47 step %scan3A_48  : i32 {
        %mul3A_59 = arith.constant 16 : i32
        %mul3A_60 = arith.muli %scan3A_58, %mul3A_59 : i32
        %get3A = arith.index_cast %mul3A_60 : i32 to index
        %get3A_61 = tpu.vector_load %arg7[%get3A] {strides = array<i32>} : memref<128xi32, #tpu.memory_space<vmem>>, vector<16xi32>,
        %get3A_62 = vector.shape_cast %get3A_61 : vector<16xi32> to vector<16xi32>
        %add3A_63 = vector.broadcast %mul3A_2 : i32 to vector<16xi32>
        %add3A_64 = arith.addi %get3A_62, %add3A_63 : vector<16xi32>
        %mul3A_65 = arith.constant 16 : i32
        %mul3A_66 = arith.muli %scan3A_58, %mul3A_65 : i32
        %swap3A = arith.index_cast %mul3A_66 : i32 to index
        %swap3A_67 = tpu.vector_load %arg7[%swap3A] {strides = array<i32>} : memref<128xi32, #tpu.memory_space<vmem>>, vector<16xi32>,
        %swap3A_68 = vector.shape_cast %swap3A_67 : vector<16xi32> to vector<16xi32>
        %swap3A_69 = vector.shape_cast %add3A_64 : vector<16xi32> to vector<16xi32>
        tpu.vector_store %arg7[%swap3A], %swap3A_69 {strides = array<i32>} : memref<128xi32, #tpu.memory_space<vmem>>, vector<16xi32>,
      }
      %scan3A_49 = arith.constant 8 : i32
      "tpu.region"() ({
        %run_scoped3A_58 = tpu.sem_alloc : memref<!tpu.dma_semaphore, #tpu.memory_space<semaphore_mem>>
        %dma_start3A_59 = arith.constant 0 : i32
        %dma_start3A_60 = arith.constant 0 : i32
        %dma_start3A_61 = tpu.memref_slice %arg13[%dma_start3A_59, %dma_start3A_60] : memref<10112x128xf32, #tpu.memory_space<vmem_shared>> -> memref<10112x128xf32, #tpu.memory_space<vmem_shared>>
        tpu.enqueue_indirect_dma source(%arg11 : memref<128x128xf32, #tpu.memory_space<vmem>>) target(%dma_start3A_61 : memref<10112x128xf32, #tpu.memory_space<vmem_shared>>) offsets(%arg9 : memref<128xi32, #tpu.memory_space<vmem>>) semaphore(%run_scoped3A_58 : memref<!tpu.dma_semaphore, #tpu.memory_space<semaphore_mem>>) {add = true}
        %dma_wait3A_62 = arith.constant 0 : i32
        %dma_wait3A_63 = arith.constant 0 : i32
        %dma_wait3A_64 = tpu.memref_slice %arg13[%dma_wait3A_62, %dma_wait3A_63] : memref<10112x128xf32, #tpu.memory_space<vmem_shared>> -> memref<10112x128xf32, #tpu.memory_space<vmem_shared>>
        tpu.wait_indirect_dma semaphore(%run_scoped3A_58 : memref<!tpu.dma_semaphore, #tpu.memory_space<semaphore_mem>>) src(%arg11 : memref<128x128xf32, #tpu.memory_space<vmem>>) dst(%dma_wait3A_64 : memref<10112x128xf32, #tpu.memory_space<vmem_shared>>)
        tpu.yield
      }) : () -> ()
      %dma_start3A_50 = arith.constant 0 : i32
      %dma_start3A_51 = arith.constant 0 : i32
      %dma_start3A_52 = tpu.memref_slice %arg2[%dma_start3A_50, %dma_start3A_51] : memref<20224x128xf32, #tpu.memory_space<hbm>> -> memref<20224x128xf32, #tpu.memory_space<hbm>>
      tpu.enqueue_indirect_dma source(%dma_start3A_52 : memref<20224x128xf32, #tpu.memory_space<hbm>>) target(%arg11 : memref<128x128xf32, #tpu.memory_space<vmem>>) offsets(%arg7 : memref<128xi32, #tpu.memory_space<vmem>>) semaphore(%arg14 : memref<!tpu.dma_semaphore, #tpu.memory_space<semaphore_mem>>)
      %add3A_53 = arith.constant 1 : i32
      %add3A_54 = arith.addi %mul3A_27, %add3A_53 : i32
      "tpu.region"() ({
        %run_scoped3A_58 = tpu.sem_alloc : memref<!tpu.dma_semaphore, #tpu.memory_space<semaphore_mem>>
        %dma_start3A_59 = arith.constant 0 : i32
        %dma_start3A_60 = tpu.memref_slice %arg4[%arg1, %add3A_54, %dma_start3A_59] : memref<16x158x128xi32, #tpu.memory_space<hbm>> -> memref<1x1x128xi32, #tpu.memory_space<hbm>>
        %dma_start3A_61 = tpu.memref_squeeze %dma_start3A_60 : memref<1x1x128xi32, #tpu.memory_space<hbm>> -> memref<128xi32, #tpu.memory_space<hbm>>
        %dma_start3A_62 = arith.constant 0 : i32
        %dma_start3A_63 = tpu.memref_slice %arg4[%arg1, %add3A_54, %dma_start3A_62] : memref<16x158x128xi32, #tpu.memory_space<hbm>> -> memref<1x1x128xi32, #tpu.memory_space<hbm>>
        %dma_start3A_64 = tpu.memref_squeeze %dma_start3A_63 : memref<1x1x128xi32, #tpu.memory_space<hbm>> -> memref<128xi32, #tpu.memory_space<hbm>>
        tpu.enqueue_dma source(%dma_start3A_64 : memref<128xi32, #tpu.memory_space<hbm>>) target(%arg10 : memref<128xi32, #tpu.memory_space<vmem>>) target_semaphore(%run_scoped3A_58 : memref<!tpu.dma_semaphore, #tpu.memory_space<semaphore_mem>>)
        %dma_wait3A_65 = arith.constant 0 : i32
        %dma_wait3A_66 = tpu.memref_slice %arg4[%arg1, %add3A_54, %dma_wait3A_65] : memref<16x158x128xi32, #tpu.memory_space<hbm>> -> memref<1x1x128xi32, #tpu.memory_space<hbm>>
        %dma_wait3A_67 = tpu.memref_squeeze %dma_wait3A_66 : memref<1x1x128xi32, #tpu.memory_space<hbm>> -> memref<128xi32, #tpu.memory_space<hbm>>
        %dma_wait3A_68 = arith.constant 0 : i32
        %dma_wait3A_69 = tpu.memref_slice %arg4[%arg1, %add3A_54, %dma_wait3A_68] : memref<16x158x128xi32, #tpu.memory_space<hbm>> -> memref<1x1x128xi32, #tpu.memory_space<hbm>>
        %dma_wait3A_70 = tpu.memref_squeeze %dma_wait3A_69 : memref<1x1x128xi32, #tpu.memory_space<hbm>> -> memref<128xi32, #tpu.memory_space<hbm>>
        tpu.wait_dma2 semaphore(%run_scoped3A_58 : memref<!tpu.dma_semaphore, #tpu.memory_space<semaphore_mem>>) src(%dma_wait3A_70 : memref<128xi32, #tpu.memory_space<hbm>>) dst(%arg10 : memref<128xi32, #tpu.memory_space<vmem>>)
        tpu.yield
      }) : () -> ()
      %dma_wait3A_55 = arith.constant 0 : i32
      %dma_wait3A_56 = arith.constant 0 : i32
      %dma_wait3A_57 = tpu.memref_slice %arg2[%dma_wait3A_55, %dma_wait3A_56] : memref<20224x128xf32, #tpu.memory_space<hbm>> -> memref<20224x128xf32, #tpu.memory_space<hbm>>
      tpu.wait_indirect_dma semaphore(%arg15 : memref<!tpu.dma_semaphore, #tpu.memory_space<semaphore_mem>>) src(%dma_wait3A_57 : memref<20224x128xf32, #tpu.memory_space<hbm>>) dst(%arg12 : memref<128x128xf32, #tpu.memory_space<vmem>>)
      "tpu.region"() ({
        %run_scoped3A_58 = tpu.sem_alloc : memref<!tpu.dma_semaphore, #tpu.memory_space<semaphore_mem>>
        %dma_start3A_59 = arith.constant 0 : i32
        %dma_start3A_60 = arith.constant 0 : i32
        %dma_start3A_61 = tpu.memref_slice %arg13[%dma_start3A_59, %dma_start3A_60] : memref<10112x128xf32, #tpu.memory_space<vmem_shared>> -> memref<10112x128xf32, #tpu.memory_space<vmem_shared>>
        tpu.enqueue_indirect_dma source(%arg12 : memref<128x128xf32, #tpu.memory_space<vmem>>) target(%dma_start3A_61 : memref<10112x128xf32, #tpu.memory_space<vmem_shared>>) offsets(%arg10 : memref<128xi32, #tpu.memory_space<vmem>>) semaphore(%run_scoped3A_58 : memref<!tpu.dma_semaphore, #tpu.memory_space<semaphore_mem>>) {add = true}
        %dma_wait3A_62 = arith.constant 0 : i32
        %dma_wait3A_63 = arith.constant 0 : i32
        %dma_wait3A_64 = tpu.memref_slice %arg13[%dma_wait3A_62, %dma_wait3A_63] : memref<10112x128xf32, #tpu.memory_space<vmem_shared>> -> memref<10112x128xf32, #tpu.memory_space<vmem_shared>>
        tpu.wait_indirect_dma semaphore(%run_scoped3A_58 : memref<!tpu.dma_semaphore, #tpu.memory_space<semaphore_mem>>) src(%arg12 : memref<128x128xf32, #tpu.memory_space<vmem>>) dst(%dma_wait3A_64 : memref<10112x128xf32, #tpu.memory_space<vmem_shared>>)
        tpu.yield
      }) : () -> ()
    }
    %scan3A_15 = arith.constant 79 : i32
    %dma_wait3A = arith.constant 0 : i32
    %dma_wait3A_16 = arith.constant 0 : i32
    %dma_wait3A_17 = tpu.memref_slice %arg2[%dma_wait3A, %dma_wait3A_16] : memref<20224x128xf32, #tpu.memory_space<hbm>> -> memref<20224x128xf32, #tpu.memory_space<hbm>>
    tpu.wait_indirect_dma semaphore(%arg14 : memref<!tpu.dma_semaphore, #tpu.memory_space<semaphore_mem>>) src(%dma_wait3A_17 : memref<20224x128xf32, #tpu.memory_space<hbm>>) dst(%arg11 : memref<128x128xf32, #tpu.memory_space<vmem>>)
    %barrier3A_18 = arith.constant 0 : index
    tpu.barrier barrier_id(%barrier3A_18)
    %mul3A_19 = arith.constant 632 : i32
    %mul3A_20 = arith.muli %arg1, %mul3A_19 : i32
    %mul3A_21 = arith.constant 10112 : i32
    %mul3A_22 = arith.muli %arg0, %mul3A_21 : i32
    %mul3A_23 = arith.constant 632 : i32
    %mul3A_24 = arith.muli %arg1, %mul3A_23 : i32
    %add3A = arith.addi %mul3A_22, %mul3A_24 : i32
    "tpu.region"() ({
      %run_scoped3A_25 = tpu.sem_alloc : memref<!tpu.dma_semaphore, #tpu.memory_space<semaphore_mem>>
      %dma_start3A_26 = arith.constant 0 : i32
      %dma_start3A_27 = tpu.memref_slice %arg6[%add3A, %dma_start3A_26] : memref<20224x128xf32, #tpu.memory_space<hbm>> -> memref<632x128xf32, #tpu.memory_space<hbm>>
      %dma_start3A_28 = arith.constant 0 : i32
      %dma_start3A_29 = tpu.memref_slice %arg13[%mul3A_20, %dma_start3A_28] : memref<10112x128xf32, #tpu.memory_space<vmem_shared>> -> memref<632x128xf32, #tpu.memory_space<vmem_shared>>
      tpu.enqueue_dma source(%dma_start3A_29 : memref<632x128xf32, #tpu.memory_space<vmem_shared>>) target(%dma_start3A_27 : memref<632x128xf32, #tpu.memory_space<hbm>>) target_semaphore(%run_scoped3A_25 : memref<!tpu.dma_semaphore, #tpu.memory_space<semaphore_mem>>)
      %dma_wait3A_30 = arith.constant 0 : i32
      %dma_wait3A_31 = tpu.memref_slice %arg6[%add3A, %dma_wait3A_30] : memref<20224x128xf32, #tpu.memory_space<hbm>> -> memref<632x128xf32, #tpu.memory_space<hbm>>
      %dma_wait3A_32 = arith.constant 0 : i32
      %dma_wait3A_33 = tpu.memref_slice %arg13[%mul3A_20, %dma_wait3A_32] : memref<10112x128xf32, #tpu.memory_space<vmem_shared>> -> memref<632x128xf32, #tpu.memory_space<vmem_shared>>
      tpu.wait_dma2 semaphore(%run_scoped3A_25 : memref<!tpu.dma_semaphore, #tpu.memory_space<semaphore_mem>>) src(%dma_wait3A_33 : memref<632x128xf32, #tpu.memory_space<vmem_shared>>) dst(%dma_wait3A_31 : memref<632x128xf32, #tpu.memory_space<hbm>>)
      tpu.yield
    }) : () -> ()
    return
  }
}

module attributes {stable_mosaic.version = 14 : i64} {
  func.func @body(%arg0: i32, %arg1: memref<632x128xf32, #tpu.memory_space<vmem>>, %arg2: memref<128x256xf32, #tpu.memory_space<vmem>>, %arg3: memref<632x16xf32, #tpu.memory_space<vmem>>, %arg4: memref<632x16xf32, #tpu.memory_space<vmem>>, %arg5: memref<2x632x128xf32, #tpu.memory_space<vmem>>) attributes {dimension_semantics = [#tpu.dimension_semantics<arbitrary>], iteration_bounds = array<i64: 16>, scalar_prefetch = 0 : i64, scratch_operands = 0 : i64, tpu.core_type = #tpu.core_type<tc>, window_params = [{transform_indices = @transform_0, window_bounds = array<i64: 632, 128>}, {pipeline_mode = #tpu.pipeline_mode<synchronous>, transform_indices = @transform_1, window_bounds = array<i64: 128, 256>}, {transform_indices = @transform_2, window_bounds = array<i64: 632, 16>}, {transform_indices = @transform_3, window_bounds = array<i64: 632, 16>}, {transform_indices = @transform_4, window_bounds = array<i64: 2, 632, 128>}]} {
    %get3A = arith.constant 0 : index
    %get3A_0 = arith.constant 0 : index
    %get3A_1 = vector.load %arg3[%get3A, %get3A_0] : memref<632x16xf32, #tpu.memory_space<vmem>>, vector<632x1xf32>
    %get3A_2 = vector.shape_cast %get3A_1 : vector<632x1xf32> to vector<632xf32>
    %get3A_3 = arith.constant 0 : index
    %get3A_4 = arith.constant 0 : index
    %get3A_5 = vector.load %arg4[%get3A_3, %get3A_4] : memref<632x16xf32, #tpu.memory_space<vmem>>, vector<632x1xf32>
    %get3A_6 = vector.shape_cast %get3A_5 : vector<632x1xf32> to vector<632xf32>
    %add3A = arith.addf %get3A_2, %get3A_6 : vector<632xf32>
    %add3A_7 = arith.constant 1.000000e+00 : f32
    %add3A_8 = vector.broadcast %add3A_7 : f32 to vector<632xf32>
    %add3A_9 = arith.addf %add3A, %add3A_8 : vector<632xf32>
    %rsqrt3A = math.rsqrt %add3A_9 : vector<632xf32>
    %get3A_10 = arith.constant 0 : index
    %get3A_11 = arith.constant 0 : index
    %get3A_12 = vector.load %arg1[%get3A_10, %get3A_11] : memref<632x128xf32, #tpu.memory_space<vmem>>, vector<632x128xf32>
    %get3A_13 = arith.constant 0 : index
    %get3A_14 = arith.constant 0 : index
    %get3A_15 = vector.load %arg2[%get3A_13, %get3A_14] : memref<128x256xf32, #tpu.memory_space<vmem>>, vector<128x256xf32>
    %dot_general3A = arith.constant dense<0.000000e+00> : vector<632x256xf32>
    %dot_general3A_16 = tpu.matmul %get3A_12, %get3A_15, %dot_general3A {dimension_numbers = #tpu.dot_dimension_numbers<[1], [0], [0], [1], [0, 0, 1, 1], [], []>, precision = #tpu.contract_precision<fp32>, transpose_lhs_hint = false} : vector<632x128xf32>, vector<128x256xf32>, vector<632x256xf32> -> vector<632x256xf32>
    %broadcast_in_dim3A = vector.shape_cast %rsqrt3A : vector<632xf32> to vector<632x1xf32>
    %mul3A = vector.broadcast %broadcast_in_dim3A : vector<632x1xf32> to vector<632x256xf32>
    %mul3A_17 = arith.mulf %mul3A, %dot_general3A_16 : vector<632x256xf32>
    %slice3A = vector.extract_strided_slice %mul3A_17 {offsets = [0, 0], sizes = [632, 128], strides = [1, 1]} : vector<632x256xf32> to vector<632x128xf32>
    %swap3A = arith.constant 0 : index
    %swap3A_18 = arith.constant 0 : index
    %swap3A_19 = arith.constant 0 : index
    %swap3A_20 = vector.load %arg5[%swap3A, %swap3A_18, %swap3A_19] : memref<2x632x128xf32, #tpu.memory_space<vmem>>, vector<1x632x128xf32>
    %swap3A_21 = vector.shape_cast %swap3A_20 : vector<1x632x128xf32> to vector<632x128xf32>
    %swap3A_22 = vector.shape_cast %slice3A : vector<632x128xf32> to vector<1x632x128xf32>
    tpu.vector_store %arg5[%swap3A, %swap3A_18, %swap3A_19], %swap3A_22 {strides = array<i32>} : memref<2x632x128xf32, #tpu.memory_space<vmem>>, vector<1x632x128xf32>,
    %slice3A_23 = vector.extract_strided_slice %mul3A_17 {offsets = [0, 128], sizes = [632, 128], strides = [1, 1]} : vector<632x256xf32> to vector<632x128xf32>
    %swap3A_24 = arith.constant 1 : index
    %swap3A_25 = arith.constant 0 : index
    %swap3A_26 = arith.constant 0 : index
    %swap3A_27 = vector.load %arg5[%swap3A_24, %swap3A_25, %swap3A_26] : memref<2x632x128xf32, #tpu.memory_space<vmem>>, vector<1x632x128xf32>
    %swap3A_28 = vector.shape_cast %swap3A_27 : vector<1x632x128xf32> to vector<632x128xf32>
    %swap3A_29 = vector.shape_cast %slice3A_23 : vector<632x128xf32> to vector<1x632x128xf32>
    tpu.vector_store %arg5[%swap3A_24, %swap3A_25, %swap3A_26], %swap3A_29 {strides = array<i32>} : memref<2x632x128xf32, #tpu.memory_space<vmem>>, vector<1x632x128xf32>,
    return
  }
  func.func @transform_0(%arg0: i32) -> (i32, i32) {
    %c0_i32 = arith.constant 0 : i32
    %c0_i32_0 = arith.constant 0 : i32
    return %arg0, %c0_i32 : i32, i32
  }
  func.func @transform_1(%arg0: i32) -> (i32, i32) {
    %c0_i32 = arith.constant 0 : i32
    %c0_i32_0 = arith.constant 0 : i32
    %c0_i32_1 = arith.constant 0 : i32
    return %c0_i32, %c0_i32_0 : i32, i32
  }
  func.func @transform_2(%arg0: i32) -> (i32, i32) {
    %c0_i32 = arith.constant 0 : i32
    %c0_i32_0 = arith.constant 0 : i32
    return %arg0, %c0_i32 : i32, i32
  }
  func.func @transform_3(%arg0: i32) -> (i32, i32) {
    %c0_i32 = arith.constant 0 : i32
    %c0_i32_0 = arith.constant 0 : i32
    return %arg0, %c0_i32 : i32, i32
  }
  func.func @transform_4(%arg0: i32) -> (i32, i32, i32) {
    %c0_i32 = arith.constant 0 : i32
    %c0_i32_0 = arith.constant 0 : i32
    %c0_i32_1 = arith.constant 0 : i32
    return %c0_i32, %arg0, %c0_i32_0 : i32, i32, i32
  }
}

module attributes {stable_mosaic.version = 14 : i64} {
  func.func @body(%arg0: i32, %arg1: memref<632x128xf32, #tpu.memory_space<vmem>>, %arg2: memref<632x128xf32, #tpu.memory_space<vmem>>, %arg3: memref<2x632x128xf32, #tpu.memory_space<vmem>>, %arg4: memref<632x16xf32, #tpu.memory_space<vmem>>, %arg5: memref<632x16xf32, #tpu.memory_space<vmem>>, %arg6: memref<1x256xf32, #tpu.memory_space<vmem>>, %arg7: memref<256x256xf32, #tpu.memory_space<vmem>>, %arg8: memref<1x256xf32, #tpu.memory_space<vmem>>, %arg9: memref<256x256xf32, #tpu.memory_space<vmem>>, %arg10: memref<2x632x128xf32, #tpu.memory_space<vmem>>) attributes {dimension_semantics = [#tpu.dimension_semantics<arbitrary>], iteration_bounds = array<i64: 16>, scalar_prefetch = 0 : i64, scratch_operands = 0 : i64, tpu.core_type = #tpu.core_type<tc>, window_params = [{transform_indices = @transform_0, window_bounds = array<i64: 632, 128>}, {transform_indices = @transform_1, window_bounds = array<i64: 632, 128>}, {transform_indices = @transform_2, window_bounds = array<i64: 2, 632, 128>}, {transform_indices = @transform_3, window_bounds = array<i64: 632, 16>}, {transform_indices = @transform_4, window_bounds = array<i64: 632, 16>}, {pipeline_mode = #tpu.pipeline_mode<synchronous>, transform_indices = @transform_5, window_bounds = array<i64: 1, 256>}, {pipeline_mode = #tpu.pipeline_mode<synchronous>, transform_indices = @transform_6, window_bounds = array<i64: 256, 256>}, {pipeline_mode = #tpu.pipeline_mode<synchronous>, transform_indices = @transform_7, window_bounds = array<i64: 1, 256>}, {pipeline_mode = #tpu.pipeline_mode<synchronous>, transform_indices = @transform_8, window_bounds = array<i64: 256, 256>}, {transform_indices = @transform_9, window_bounds = array<i64: 2, 632, 128>}]} {
    %get3A = arith.constant 0 : index
    %get3A_0 = arith.constant 0 : index
    %get3A_1 = vector.load %arg4[%get3A, %get3A_0] : memref<632x16xf32, #tpu.memory_space<vmem>>, vector<632x1xf32>
    %get3A_2 = vector.shape_cast %get3A_1 : vector<632x1xf32> to vector<632xf32>
    %get3A_3 = arith.constant 0 : index
    %get3A_4 = arith.constant 0 : index
    %get3A_5 = vector.load %arg5[%get3A_3, %get3A_4] : memref<632x16xf32, #tpu.memory_space<vmem>>, vector<632x1xf32>
    %get3A_6 = vector.shape_cast %get3A_5 : vector<632x1xf32> to vector<632xf32>
    %add3A = arith.addf %get3A_2, %get3A_6 : vector<632xf32>
    %add3A_7 = arith.constant 1.000000e+00 : f32
    %add3A_8 = vector.broadcast %add3A_7 : f32 to vector<632xf32>
    %add3A_9 = arith.addf %add3A, %add3A_8 : vector<632xf32>
    %rsqrt3A = math.rsqrt %add3A_9 : vector<632xf32>
    %get3A_10 = arith.constant 0 : index
    %get3A_11 = arith.constant 0 : index
    %get3A_12 = vector.load %arg1[%get3A_10, %get3A_11] : memref<632x128xf32, #tpu.memory_space<vmem>>, vector<632x128xf32>
    %get3A_13 = arith.constant 0 : index
    %get3A_14 = arith.constant 0 : index
    %get3A_15 = vector.load %arg2[%get3A_13, %get3A_14] : memref<632x128xf32, #tpu.memory_space<vmem>>, vector<632x128xf32>
    %concatenate3A = tpu.concatenate %get3A_12, %get3A_15 in 1 : vector<632x128xf32>, vector<632x128xf32> -> vector<632x256xf32>
    %get3A_16 = arith.constant 0 : index
    %get3A_17 = arith.constant 0 : index
    %get3A_18 = arith.constant 0 : index
    %get3A_19 = vector.load %arg3[%get3A_16, %get3A_17, %get3A_18] : memref<2x632x128xf32, #tpu.memory_space<vmem>>, vector<1x632x128xf32>
    %get3A_20 = vector.shape_cast %get3A_19 : vector<1x632x128xf32> to vector<632x128xf32>
    %get3A_21 = arith.constant 1 : index
    %get3A_22 = arith.constant 0 : index
    %get3A_23 = arith.constant 0 : index
    %get3A_24 = vector.load %arg3[%get3A_21, %get3A_22, %get3A_23] : memref<2x632x128xf32, #tpu.memory_space<vmem>>, vector<1x632x128xf32>
    %get3A_25 = vector.shape_cast %get3A_24 : vector<1x632x128xf32> to vector<632x128xf32>
    %concatenate3A_26 = tpu.concatenate %get3A_20, %get3A_25 in 1 : vector<632x128xf32>, vector<632x128xf32> -> vector<632x256xf32>
    %broadcast_in_dim3A = vector.shape_cast %rsqrt3A : vector<632xf32> to vector<632x1xf32>
    %add3A_27 = arith.addf %concatenate3A, %concatenate3A_26 : vector<632x256xf32>
    %mul3A = vector.broadcast %broadcast_in_dim3A : vector<632x1xf32> to vector<632x256xf32>
    %mul3A_28 = arith.mulf %mul3A, %add3A_27 : vector<632x256xf32>
    %get3A_29 = arith.constant 0 : index
    %get3A_30 = arith.constant 0 : index
    %get3A_31 = vector.load %arg6[%get3A_29, %get3A_30] : memref<1x256xf32, #tpu.memory_space<vmem>>, vector<1x256xf32>
    %get3A_32 = vector.shape_cast %get3A_31 : vector<1x256xf32> to vector<256xf32>
    %broadcast_in_dim3A_33 = vector.shape_cast %get3A_32 : vector<256xf32> to vector<1x256xf32>
    %add3A_34 = vector.broadcast %broadcast_in_dim3A_33 : vector<1x256xf32> to vector<632x256xf32>
    %add3A_35 = arith.addf %mul3A_28, %add3A_34 : vector<632x256xf32>
    %max3A = arith.constant 0.000000e+00 : f32
    %max3A_36 = vector.broadcast %max3A : f32 to vector<632x256xf32>
    %max3A_37 = arith.maximumf %add3A_35, %max3A_36 : vector<632x256xf32>
    %get3A_38 = arith.constant 0 : index
    %get3A_39 = arith.constant 0 : index
    %get3A_40 = vector.load %arg7[%get3A_38, %get3A_39] : memref<256x256xf32, #tpu.memory_space<vmem>>, vector<256x256xf32>
    %dot_general3A = arith.constant dense<0.000000e+00> : vector<632x256xf32>
    %dot_general3A_41 = tpu.matmul %max3A_37, %get3A_40, %dot_general3A {dimension_numbers = #tpu.dot_dimension_numbers<[1], [0], [0], [1], [0, 0, 1, 1], [], []>, precision = #tpu.contract_precision<fp32>, transpose_lhs_hint = false} : vector<632x256xf32>, vector<256x256xf32>, vector<632x256xf32> -> vector<632x256xf32>
    %get3A_42 = arith.constant 0 : index
    %get3A_43 = arith.constant 0 : index
    %get3A_44 = vector.load %arg8[%get3A_42, %get3A_43] : memref<1x256xf32, #tpu.memory_space<vmem>>, vector<1x256xf32>
    %get3A_45 = vector.shape_cast %get3A_44 : vector<1x256xf32> to vector<256xf32>
    %broadcast_in_dim3A_46 = vector.shape_cast %get3A_45 : vector<256xf32> to vector<1x256xf32>
    %add3A_47 = vector.broadcast %broadcast_in_dim3A_46 : vector<1x256xf32> to vector<632x256xf32>
    %add3A_48 = arith.addf %dot_general3A_41, %add3A_47 : vector<632x256xf32>
    %max3A_49 = arith.constant 0.000000e+00 : f32
    %max3A_50 = vector.broadcast %max3A_49 : f32 to vector<632x256xf32>
    %max3A_51 = arith.maximumf %add3A_48, %max3A_50 : vector<632x256xf32>
    %broadcast_in_dim3A_52 = vector.shape_cast %rsqrt3A : vector<632xf32> to vector<632x1xf32>
    %get3A_53 = arith.constant 0 : index
    %get3A_54 = arith.constant 0 : index
    %get3A_55 = vector.load %arg9[%get3A_53, %get3A_54] : memref<256x256xf32, #tpu.memory_space<vmem>>, vector<256x256xf32>
    %dot_general3A_56 = arith.constant dense<0.000000e+00> : vector<632x256xf32>
    %dot_general3A_57 = tpu.matmul %max3A_51, %get3A_55, %dot_general3A_56 {dimension_numbers = #tpu.dot_dimension_numbers<[1], [0], [0], [1], [0, 0, 1, 1], [], []>, precision = #tpu.contract_precision<fp32>, transpose_lhs_hint = false} : vector<632x256xf32>, vector<256x256xf32>, vector<632x256xf32> -> vector<632x256xf32>
    %mul3A_58 = vector.broadcast %broadcast_in_dim3A_52 : vector<632x1xf32> to vector<632x256xf32>
    %mul3A_59 = arith.mulf %mul3A_58, %dot_general3A_57 : vector<632x256xf32>
    %mul3A_60 = arith.constant 632 : i32
    %mul3A_61 = arith.muli %arg0, %mul3A_60 : i32
    %iota3A = tpu.iota {dimensions = array<i32: 0>} : vector<632x1xi32>
    %add3A_62 = vector.broadcast %mul3A_61 : i32 to vector<632x1xi32>
    %add3A_63 = arith.addi %add3A_62, %iota3A : vector<632x1xi32>
    %lt3A = arith.constant 10000 : i32
    %lt3A_64 = vector.broadcast %lt3A : i32 to vector<632x1xi32>
    %lt3A_65 = arith.cmpi slt, %add3A_63, %lt3A_64 : vector<632x1xi32>
    %jit3A = arith.constant 0.000000e+00 : f32
    %broadcast_in_dim3A_66 = vector.shape_cast %lt3A_65 : vector<632x1xi1> to vector<632x1xi1>
    %broadcast_in_dim3A_67 = vector.broadcast %broadcast_in_dim3A_66 : vector<632x1xi1> to vector<632x256xi1>
    %broadcast_in_dim3A_68 = vector.broadcast %jit3A : f32 to vector<632x256xf32>
    %select_n3A = arith.select %broadcast_in_dim3A_67, %mul3A_59, %broadcast_in_dim3A_68 : vector<632x256xi1>, vector<632x256xf32>
    %slice3A = vector.extract_strided_slice %select_n3A {offsets = [0, 0], sizes = [632, 128], strides = [1, 1]} : vector<632x256xf32> to vector<632x128xf32>
    %swap3A = arith.constant 0 : index
    %swap3A_69 = arith.constant 0 : index
    %swap3A_70 = arith.constant 0 : index
    %swap3A_71 = vector.load %arg10[%swap3A, %swap3A_69, %swap3A_70] : memref<2x632x128xf32, #tpu.memory_space<vmem>>, vector<1x632x128xf32>
    %swap3A_72 = vector.shape_cast %swap3A_71 : vector<1x632x128xf32> to vector<632x128xf32>
    %swap3A_73 = vector.shape_cast %slice3A : vector<632x128xf32> to vector<1x632x128xf32>
    tpu.vector_store %arg10[%swap3A, %swap3A_69, %swap3A_70], %swap3A_73 {strides = array<i32>} : memref<2x632x128xf32, #tpu.memory_space<vmem>>, vector<1x632x128xf32>,
    %slice3A_74 = vector.extract_strided_slice %select_n3A {offsets = [0, 128], sizes = [632, 128], strides = [1, 1]} : vector<632x256xf32> to vector<632x128xf32>
    %swap3A_75 = arith.constant 1 : index
    %swap3A_76 = arith.constant 0 : index
    %swap3A_77 = arith.constant 0 : index
    %swap3A_78 = vector.load %arg10[%swap3A_75, %swap3A_76, %swap3A_77] : memref<2x632x128xf32, #tpu.memory_space<vmem>>, vector<1x632x128xf32>
    %swap3A_79 = vector.shape_cast %swap3A_78 : vector<1x632x128xf32> to vector<632x128xf32>
    %swap3A_80 = vector.shape_cast %slice3A_74 : vector<632x128xf32> to vector<1x632x128xf32>
    tpu.vector_store %arg10[%swap3A_75, %swap3A_76, %swap3A_77], %swap3A_80 {strides = array<i32>} : memref<2x632x128xf32, #tpu.memory_space<vmem>>, vector<1x632x128xf32>,
    return
  }
  func.func @transform_0(%arg0: i32) -> (i32, i32) {
    %c0_i32 = arith.constant 0 : i32
    %c0_i32_0 = arith.constant 0 : i32
    return %arg0, %c0_i32 : i32, i32
  }
  func.func @transform_1(%arg0: i32) -> (i32, i32) {
    %c0_i32 = arith.constant 0 : i32
    %c0_i32_0 = arith.constant 0 : i32
    return %arg0, %c0_i32 : i32, i32
  }
  func.func @transform_2(%arg0: i32) -> (i32, i32, i32) {
    %c0_i32 = arith.constant 0 : i32
    %c0_i32_0 = arith.constant 0 : i32
    %c0_i32_1 = arith.constant 0 : i32
    return %c0_i32, %arg0, %c0_i32_0 : i32, i32, i32
  }
  func.func @transform_3(%arg0: i32) -> (i32, i32) {
    %c0_i32 = arith.constant 0 : i32
    %c0_i32_0 = arith.constant 0 : i32
    return %arg0, %c0_i32 : i32, i32
  }
  func.func @transform_4(%arg0: i32) -> (i32, i32) {
    %c0_i32 = arith.constant 0 : i32
    %c0_i32_0 = arith.constant 0 : i32
    return %arg0, %c0_i32 : i32, i32
  }
  func.func @transform_5(%arg0: i32) -> (i32, i32) {
    %c0_i32 = arith.constant 0 : i32
    %c0_i32_0 = arith.constant 0 : i32
    %c0_i32_1 = arith.constant 0 : i32
    return %c0_i32, %c0_i32_0 : i32, i32
  }
  func.func @transform_6(%arg0: i32) -> (i32, i32) {
    %c0_i32 = arith.constant 0 : i32
    %c0_i32_0 = arith.constant 0 : i32
    %c0_i32_1 = arith.constant 0 : i32
    return %c0_i32, %c0_i32_0 : i32, i32
  }
  func.func @transform_7(%arg0: i32) -> (i32, i32) {
    %c0_i32 = arith.constant 0 : i32
    %c0_i32_0 = arith.constant 0 : i32
    %c0_i32_1 = arith.constant 0 : i32
    return %c0_i32, %c0_i32_0 : i32, i32
  }
  func.func @transform_8(%arg0: i32) -> (i32, i32) {
    %c0_i32 = arith.constant 0 : i32
    %c0_i32_0 = arith.constant 0 : i32
    %c0_i32_1 = arith.constant 0 : i32
    return %c0_i32, %c0_i32_0 : i32, i32
  }
  func.func @transform_9(%arg0: i32) -> (i32, i32, i32) {
    %c0_i32 = arith.constant 0 : i32
    %c0_i32_0 = arith.constant 0 : i32
    %c0_i32_1 = arith.constant 0 : i32
    return %c0_i32, %arg0, %c0_i32_0 : i32, i32, i32
  }
}

module attributes {stable_mosaic.version = 14 : i64} {
  func.func @body(%arg0: i32, %arg1: i32, %arg2: memref<632x128xf32, #tpu.memory_space<vmem>>, %arg3: memref<632x128xf32, #tpu.memory_space<vmem>>, %arg4: memref<2x632x128xf32, #tpu.memory_space<vmem>>, %arg5: memref<632x16xf32, #tpu.memory_space<vmem>>, %arg6: memref<632x16xf32, #tpu.memory_space<vmem>>, %arg7: memref<1x256xf32, #tpu.memory_space<vmem>>, %arg8: memref<1x1x632xi32, #tpu.memory_space<vmem>>, %arg9: memref<256x256xf32, #tpu.memory_space<vmem>>, %arg10: memref<64x256xf32, #tpu.memory_space<vmem>>, %arg11: memref<64x256xf32, #tpu.memory_space<vmem>>, %arg12: memref<1x64xf32, #tpu.memory_space<vmem>>, %arg13: memref<64x256xf32, #tpu.memory_space<vmem>>) attributes {dimension_semantics = [#tpu.dimension_semantics<arbitrary>, #tpu.dimension_semantics<arbitrary>], iteration_bounds = array<i64: 2, 16>, scalar_prefetch = 0 : i64, scratch_operands = 3 : i64, tpu.core_type = #tpu.core_type<tc>, window_params = [{transform_indices = @transform_0, window_bounds = array<i64: 632, 128>}, {transform_indices = @transform_1, window_bounds = array<i64: 632, 128>}, {transform_indices = @transform_2, window_bounds = array<i64: 2, 632, 128>}, {transform_indices = @transform_3, window_bounds = array<i64: 632, 16>}, {transform_indices = @transform_4, window_bounds = array<i64: 632, 16>}, {pipeline_mode = #tpu.pipeline_mode<synchronous>, transform_indices = @transform_5, window_bounds = array<i64: 1, 256>}, {transform_indices = @transform_6, window_bounds = array<i64: 1, 1, 632>}, {pipeline_mode = #tpu.pipeline_mode<synchronous>, transform_indices = @transform_7, window_bounds = array<i64: 256, 256>}, {pipeline_mode = #tpu.pipeline_mode<synchronous>, transform_indices = @transform_8, window_bounds = array<i64: 64, 256>}]} {
    %get3A = arith.constant 0 : index
    %get3A_0 = arith.constant 0 : index
    %get3A_1 = vector.load %arg5[%get3A, %get3A_0] : memref<632x16xf32, #tpu.memory_space<vmem>>, vector<632x1xf32>
    %get3A_2 = vector.shape_cast %get3A_1 : vector<632x1xf32> to vector<632xf32>
    %get3A_3 = arith.constant 0 : index
    %get3A_4 = arith.constant 0 : index
    %get3A_5 = vector.load %arg6[%get3A_3, %get3A_4] : memref<632x16xf32, #tpu.memory_space<vmem>>, vector<632x1xf32>
    %get3A_6 = vector.shape_cast %get3A_5 : vector<632x1xf32> to vector<632xf32>
    %add3A = arith.addf %get3A_2, %get3A_6 : vector<632xf32>
    %add3A_7 = arith.constant 1.000000e+00 : f32
    %add3A_8 = vector.broadcast %add3A_7 : f32 to vector<632xf32>
    %add3A_9 = arith.addf %add3A, %add3A_8 : vector<632xf32>
    %rsqrt3A = math.rsqrt %add3A_9 : vector<632xf32>
    %get3A_10 = arith.constant 0 : index
    %get3A_11 = arith.constant 0 : index
    %get3A_12 = vector.load %arg2[%get3A_10, %get3A_11] : memref<632x128xf32, #tpu.memory_space<vmem>>, vector<632x128xf32>
    %get3A_13 = arith.constant 0 : index
    %get3A_14 = arith.constant 0 : index
    %get3A_15 = vector.load %arg3[%get3A_13, %get3A_14] : memref<632x128xf32, #tpu.memory_space<vmem>>, vector<632x128xf32>
    %concatenate3A = tpu.concatenate %get3A_12, %get3A_15 in 1 : vector<632x128xf32>, vector<632x128xf32> -> vector<632x256xf32>
    %get3A_16 = arith.constant 0 : index
    %get3A_17 = arith.constant 0 : index
    %get3A_18 = arith.constant 0 : index
    %get3A_19 = vector.load %arg4[%get3A_16, %get3A_17, %get3A_18] : memref<2x632x128xf32, #tpu.memory_space<vmem>>, vector<1x632x128xf32>
    %get3A_20 = vector.shape_cast %get3A_19 : vector<1x632x128xf32> to vector<632x128xf32>
    %get3A_21 = arith.constant 1 : index
    %get3A_22 = arith.constant 0 : index
    %get3A_23 = arith.constant 0 : index
    %get3A_24 = vector.load %arg4[%get3A_21, %get3A_22, %get3A_23] : memref<2x632x128xf32, #tpu.memory_space<vmem>>, vector<1x632x128xf32>
    %get3A_25 = vector.shape_cast %get3A_24 : vector<1x632x128xf32> to vector<632x128xf32>
    %concatenate3A_26 = tpu.concatenate %get3A_20, %get3A_25 in 1 : vector<632x128xf32>, vector<632x128xf32> -> vector<632x256xf32>
    %broadcast_in_dim3A = vector.shape_cast %rsqrt3A : vector<632xf32> to vector<632x1xf32>
    %add3A_27 = arith.addf %concatenate3A, %concatenate3A_26 : vector<632x256xf32>
    %mul3A = vector.broadcast %broadcast_in_dim3A : vector<632x1xf32> to vector<632x256xf32>
    %mul3A_28 = arith.mulf %mul3A, %add3A_27 : vector<632x256xf32>
    %get3A_29 = arith.constant 0 : index
    %get3A_30 = arith.constant 0 : index
    %get3A_31 = vector.load %arg7[%get3A_29, %get3A_30] : memref<1x256xf32, #tpu.memory_space<vmem>>, vector<1x256xf32>
    %get3A_32 = vector.shape_cast %get3A_31 : vector<1x256xf32> to vector<256xf32>
    %broadcast_in_dim3A_33 = vector.shape_cast %get3A_32 : vector<256xf32> to vector<1x256xf32>
    %add3A_34 = vector.broadcast %broadcast_in_dim3A_33 : vector<1x256xf32> to vector<632x256xf32>
    %add3A_35 = arith.addf %mul3A_28, %add3A_34 : vector<632x256xf32>
    %get3A_36 = arith.constant 0 : index
    %get3A_37 = arith.constant 0 : index
    %get3A_38 = arith.constant 0 : index
    %get3A_39 = vector.load %arg8[%get3A_36, %get3A_37, %get3A_38] : memref<1x1x632xi32, #tpu.memory_space<vmem>>, vector<1x1x632xi32>
    %get3A_40 = vector.shape_cast %get3A_39 : vector<1x1x632xi32> to vector<632xi32>
    %broadcast_in_dim3A_41 = vector.shape_cast %get3A_40 : vector<632xi32> to vector<632x1xi32>
    %iota3A = tpu.iota {dimensions = array<i32: 1>} : vector<1x64xi32>
    %eq3A = vector.broadcast %broadcast_in_dim3A_41 : vector<632x1xi32> to vector<632x64xi32>
    %eq3A_42 = vector.broadcast %iota3A : vector<1x64xi32> to vector<632x64xi32>
    %eq3A_43 = arith.cmpi eq, %eq3A, %eq3A_42 : vector<632x64xi32>
    %convert_element_type3A = arith.extui %eq3A_43 : vector<632x64xi1> to vector<632x64xi32>
    %convert_element_type3A_44 = arith.sitofp %convert_element_type3A : vector<632x64xi32> to vector<632x64xf32>
    %eq3A_45 = arith.constant 0 : i32
    %eq3A_46 = arith.cmpi eq, %arg0, %eq3A_45 : i32
    %eq3A_47 = arith.constant 0 : i32
    %eq3A_48 = arith.cmpi eq, %arg1, %eq3A_47 : i32
    %and3A = arith.andi %eq3A_46, %eq3A_48 : i1
    %convert_element_type3A_49 = arith.extui %and3A : i1 to i32
    %cond3A = arith.constant 0 : i32
    %cond3A_50 = arith.cmpi ne, %convert_element_type3A_49, %cond3A : i32
    scf.if %cond3A_50 {
      %broadcast_in_dim3A_69 = arith.constant 0.000000e+00 : f32
      %broadcast_in_dim3A_70 = vector.broadcast %broadcast_in_dim3A_69 : f32 to vector<64x256xf32>
      %swap3A = arith.constant 0 : index
      %swap3A_71 = arith.constant 0 : index
      %swap3A_72 = vector.load %arg11[%swap3A, %swap3A_71] : memref<64x256xf32, #tpu.memory_space<vmem>>, vector<64x256xf32>
      tpu.vector_store %arg11[%swap3A, %swap3A_71], %broadcast_in_dim3A_70 {strides = array<i32>} : memref<64x256xf32, #tpu.memory_space<vmem>>, vector<64x256xf32>,
      %broadcast_in_dim3A_73 = arith.constant 0.000000e+00 : f32
      %broadcast_in_dim3A_74 = vector.broadcast %broadcast_in_dim3A_73 : f32 to vector<1x64xf32>
      %swap3A_75 = arith.constant 0 : index
      %swap3A_76 = arith.constant 0 : index
      %swap3A_77 = vector.load %arg12[%swap3A_75, %swap3A_76] : memref<1x64xf32, #tpu.memory_space<vmem>>, vector<1x64xf32>
      tpu.vector_store %arg12[%swap3A_75, %swap3A_76], %broadcast_in_dim3A_74 {strides = array<i32>} : memref<1x64xf32, #tpu.memory_space<vmem>>, vector<1x64xf32>,
    } else {
    }
    %eq3A_51 = arith.constant 0 : i32
    %eq3A_52 = arith.cmpi eq, %arg0, %eq3A_51 : i32
    %convert_element_type3A_53 = arith.extui %eq3A_52 : i1 to i32
    %cond3A_54 = arith.constant 0 : i32
    %cond3A_55 = arith.cmpi ne, %convert_element_type3A_53, %cond3A_54 : i32
    scf.if %cond3A_55 {
      %get3A_69 = arith.constant 0 : index
      %get3A_70 = arith.constant 0 : index
      %get3A_71 = vector.load %arg11[%get3A_69, %get3A_70] : memref<64x256xf32, #tpu.memory_space<vmem>>, vector<64x256xf32>
      %dot_general3A = arith.constant dense<0.000000e+00> : vector<64x256xf32>
      %dot_general3A_72 = tpu.matmul %convert_element_type3A_44, %add3A_35, %dot_general3A {dimension_numbers = #tpu.dot_dimension_numbers<[0], [0], [1], [1], [0, 1, 1, 1], [], []>, precision = #tpu.contract_precision<fp32>, transpose_lhs_hint = false} : vector<632x64xf32>, vector<632x256xf32>, vector<64x256xf32> -> vector<64x256xf32>
      %add3A_73 = arith.addf %get3A_71, %dot_general3A_72 : vector<64x256xf32>
      %swap3A = arith.constant 0 : index
      %swap3A_74 = arith.constant 0 : index
      %swap3A_75 = vector.load %arg11[%swap3A, %swap3A_74] : memref<64x256xf32, #tpu.memory_space<vmem>>, vector<64x256xf32>
      tpu.vector_store %arg11[%swap3A, %swap3A_74], %add3A_73 {strides = array<i32>} : memref<64x256xf32, #tpu.memory_space<vmem>>, vector<64x256xf32>,
      %get3A_76 = arith.constant 0 : index
      %get3A_77 = arith.constant 0 : index
      %get3A_78 = vector.load %arg12[%get3A_76, %get3A_77] : memref<1x64xf32, #tpu.memory_space<vmem>>, vector<1x64xf32>
      %reduce_sum3A = arith.constant dense<0.000000e+00> : vector<64xf32>
      %reduce_sum3A_79 = vector.multi_reduction <add>, %convert_element_type3A_44, %reduce_sum3A [0] : vector<632x64xf32> to vector<64xf32>
      %broadcast_in_dim3A_80 = vector.shape_cast %reduce_sum3A_79 : vector<64xf32> to vector<1x64xf32>
      %add3A_81 = arith.addf %get3A_78, %broadcast_in_dim3A_80 : vector<1x64xf32>
      %swap3A_82 = arith.constant 0 : index
      %swap3A_83 = arith.constant 0 : index
      %swap3A_84 = vector.load %arg12[%swap3A_82, %swap3A_83] : memref<1x64xf32, #tpu.memory_space<vmem>>, vector<1x64xf32>
      tpu.vector_store %arg12[%swap3A_82, %swap3A_83], %add3A_81 {strides = array<i32>} : memref<1x64xf32, #tpu.memory_space<vmem>>, vector<1x64xf32>,
    } else {
    }
    %eq3A_56 = arith.constant 1 : i32
    %eq3A_57 = arith.cmpi eq, %arg0, %eq3A_56 : i32
    %eq3A_58 = arith.constant 0 : i32
    %eq3A_59 = arith.cmpi eq, %arg1, %eq3A_58 : i32
    %and3A_60 = arith.andi %eq3A_57, %eq3A_59 : i1
    %convert_element_type3A_61 = arith.extui %and3A_60 : i1 to i32
    %cond3A_62 = arith.constant 0 : i32
    %cond3A_63 = arith.cmpi ne, %convert_element_type3A_61, %cond3A_62 : i32
    scf.if %cond3A_63 {
      %get3A_69 = arith.constant 0 : index
      %get3A_70 = arith.constant 0 : index
      %get3A_71 = vector.load %arg12[%get3A_69, %get3A_70] : memref<1x64xf32, #tpu.memory_space<vmem>>, vector<1x64xf32>
      %jit3A = arith.constant 1.000000e+00 : f32
      %max3A = vector.broadcast %jit3A : f32 to vector<1x64xf32>
      %max3A_72 = arith.maximumf %max3A, %get3A_71 : vector<1x64xf32>
      %reshape3A = vector.shape_cast %max3A_72 : vector<1x64xf32> to vector<64x1xf32>
      %get3A_73 = arith.constant 0 : index
      %get3A_74 = arith.constant 0 : index
      %get3A_75 = vector.load %arg11[%get3A_73, %get3A_74] : memref<64x256xf32, #tpu.memory_space<vmem>>, vector<64x256xf32>
      %div3A = vector.broadcast %reshape3A : vector<64x1xf32> to vector<64x256xf32>
      %div3A_76 = arith.divf %get3A_75, %div3A : vector<64x256xf32>
      %get3A_77 = arith.constant 0 : index
      %get3A_78 = arith.constant 0 : index
      %get3A_79 = vector.load %arg9[%get3A_77, %get3A_78] : memref<256x256xf32, #tpu.memory_space<vmem>>, vector<256x256xf32>
      %dot_general3A = arith.constant dense<0.000000e+00> : vector<64x256xf32>
      %dot_general3A_80 = tpu.matmul %div3A_76, %get3A_79, %dot_general3A {dimension_numbers = #tpu.dot_dimension_numbers<[1], [0], [0], [1], [0, 0, 1, 1], [], []>, precision = #tpu.contract_precision<fp32>, transpose_lhs_hint = false} : vector<64x256xf32>, vector<256x256xf32>, vector<64x256xf32> -> vector<64x256xf32>
      %tanh3A = math.tanh %dot_general3A_80 : vector<64x256xf32>
      %swap3A = arith.constant 0 : index
      %swap3A_81 = arith.constant 0 : index
      %swap3A_82 = vector.load %arg13[%swap3A, %swap3A_81] : memref<64x256xf32, #tpu.memory_space<vmem>>, vector<64x256xf32>
      tpu.vector_store %arg13[%swap3A, %swap3A_81], %tanh3A {strides = array<i32>} : memref<64x256xf32, #tpu.memory_space<vmem>>, vector<64x256xf32>,
      %broadcast_in_dim3A_83 = arith.constant 0.000000e+00 : f32
      %broadcast_in_dim3A_84 = vector.broadcast %broadcast_in_dim3A_83 : f32 to vector<64x256xf32>
      %swap3A_85 = arith.constant 0 : index
      %swap3A_86 = arith.constant 0 : index
      %swap3A_87 = vector.load %arg10[%swap3A_85, %swap3A_86] : memref<64x256xf32, #tpu.memory_space<vmem>>, vector<64x256xf32>
      tpu.vector_store %arg10[%swap3A_85, %swap3A_86], %broadcast_in_dim3A_84 {strides = array<i32>} : memref<64x256xf32, #tpu.memory_space<vmem>>, vector<64x256xf32>,
    } else {
    }
    %eq3A_64 = arith.constant 1 : i32
    %eq3A_65 = arith.cmpi eq, %arg0, %eq3A_64 : i32
    %convert_element_type3A_66 = arith.extui %eq3A_65 : i1 to i32
    %cond3A_67 = arith.constant 0 : i32
    %cond3A_68 = arith.cmpi ne, %convert_element_type3A_66, %cond3A_67 : i32
    scf.if %cond3A_68 {
      %get3A_69 = arith.constant 0 : index
      %get3A_70 = arith.constant 0 : index
      %get3A_71 = vector.load %arg13[%get3A_69, %get3A_70] : memref<64x256xf32, #tpu.memory_space<vmem>>, vector<64x256xf32>
      %dot_general3A = arith.constant dense<0.000000e+00> : vector<632x256xf32>
      %dot_general3A_72 = tpu.matmul %convert_element_type3A_44, %get3A_71, %dot_general3A {dimension_numbers = #tpu.dot_dimension_numbers<[1], [0], [0], [1], [0, 0, 1, 1], [], []>, precision = #tpu.contract_precision<fp32>, transpose_lhs_hint = false} : vector<632x64xf32>, vector<64x256xf32>, vector<632x256xf32> -> vector<632x256xf32>
      %mul3A_73 = arith.mulf %add3A_35, %dot_general3A_72 : vector<632x256xf32>
      %reduce_sum3A = arith.constant dense<0.000000e+00> : vector<632xf32>
      %reduce_sum3A_74 = vector.multi_reduction <add>, %mul3A_73, %reduce_sum3A [1] : vector<632x256xf32> to vector<632xf32>
      %logistic3A = arith.negf %reduce_sum3A_74 : vector<632xf32>
      %logistic3A_75 = math.exp %logistic3A : vector<632xf32>
      %logistic3A_76 = arith.constant 1.000000e+00 : f32
      %logistic3A_77 = vector.broadcast %logistic3A_76 : f32 to vector<632xf32>
      %logistic3A_78 = arith.addf %logistic3A_77, %logistic3A_75 : vector<632xf32>
      %logistic3A_79 = arith.divf %logistic3A_77, %logistic3A_78 : vector<632xf32>
      %get3A_80 = arith.constant 0 : index
      %get3A_81 = arith.constant 0 : index
      %get3A_82 = vector.load %arg10[%get3A_80, %get3A_81] : memref<64x256xf32, #tpu.memory_space<vmem>>, vector<64x256xf32>
      %broadcast_in_dim3A_83 = vector.shape_cast %logistic3A_79 : vector<632xf32> to vector<632x1xf32>
      %mul3A_84 = vector.broadcast %broadcast_in_dim3A_83 : vector<632x1xf32> to vector<632x256xf32>
      %mul3A_85 = arith.mulf %mul3A_84, %add3A_35 : vector<632x256xf32>
      %dot_general3A_86 = arith.constant dense<0.000000e+00> : vector<64x256xf32>
      %dot_general3A_87 = tpu.matmul %convert_element_type3A_44, %mul3A_85, %dot_general3A_86 {dimension_numbers = #tpu.dot_dimension_numbers<[0], [0], [1], [1], [0, 1, 1, 1], [], []>, precision = #tpu.contract_precision<fp32>, transpose_lhs_hint = false} : vector<632x64xf32>, vector<632x256xf32>, vector<64x256xf32> -> vector<64x256xf32>
      %add3A_88 = arith.addf %get3A_82, %dot_general3A_87 : vector<64x256xf32>
      %swap3A = arith.constant 0 : index
      %swap3A_89 = arith.constant 0 : index
      %swap3A_90 = vector.load %arg10[%swap3A, %swap3A_89] : memref<64x256xf32, #tpu.memory_space<vmem>>, vector<64x256xf32>
      tpu.vector_store %arg10[%swap3A, %swap3A_89], %add3A_88 {strides = array<i32>} : memref<64x256xf32, #tpu.memory_space<vmem>>, vector<64x256xf32>,
    } else {
    }
    return
  }
  func.func @transform_0(%arg0: i32, %arg1: i32) -> (i32, i32) {
    %c0_i32 = arith.constant 0 : i32
    %c0_i32_0 = arith.constant 0 : i32
    return %arg1, %c0_i32 : i32, i32
  }
  func.func @transform_1(%arg0: i32, %arg1: i32) -> (i32, i32) {
    %c0_i32 = arith.constant 0 : i32
    %c0_i32_0 = arith.constant 0 : i32
    return %arg1, %c0_i32 : i32, i32
  }
  func.func @transform_2(%arg0: i32, %arg1: i32) -> (i32, i32, i32) {
    %c0_i32 = arith.constant 0 : i32
    %c0_i32_0 = arith.constant 0 : i32
    %c0_i32_1 = arith.constant 0 : i32
    return %c0_i32, %arg1, %c0_i32_0 : i32, i32, i32
  }
  func.func @transform_3(%arg0: i32, %arg1: i32) -> (i32, i32) {
    %c0_i32 = arith.constant 0 : i32
    %c0_i32_0 = arith.constant 0 : i32
    return %arg1, %c0_i32 : i32, i32
  }
  func.func @transform_4(%arg0: i32, %arg1: i32) -> (i32, i32) {
    %c0_i32 = arith.constant 0 : i32
    %c0_i32_0 = arith.constant 0 : i32
    return %arg1, %c0_i32 : i32, i32
  }
  func.func @transform_5(%arg0: i32, %arg1: i32) -> (i32, i32) {
    %c0_i32 = arith.constant 0 : i32
    %c0_i32_0 = arith.constant 0 : i32
    %c0_i32_1 = arith.constant 0 : i32
    return %c0_i32, %c0_i32_0 : i32, i32
  }
  func.func @transform_6(%arg0: i32, %arg1: i32) -> (i32, i32, i32) {
    %c0_i32 = arith.constant 0 : i32
    %c0_i32_0 = arith.constant 0 : i32
    %c0_i32_1 = arith.constant 0 : i32
    return %arg1, %c0_i32, %c0_i32_0 : i32, i32, i32
  }
  func.func @transform_7(%arg0: i32, %arg1: i32) -> (i32, i32) {
    %c0_i32 = arith.constant 0 : i32
    %c0_i32_0 = arith.constant 0 : i32
    %c0_i32_1 = arith.constant 0 : i32
    return %c0_i32, %c0_i32_0 : i32, i32
  }
  func.func @transform_8(%arg0: i32, %arg1: i32) -> (i32, i32) {
    %c0_i32 = arith.constant 0 : i32
    %c0_i32_0 = arith.constant 0 : i32
    %c0_i32_1 = arith.constant 0 : i32
    return %c0_i32, %c0_i32_0 : i32, i32
  }
}

</mosaic_0001>

<sc_bundles>
// kernel: kernel.11.cloned.1.call-start
scs
__scs_entry_jumppad:
0x0: {  	(pc) =	sbr.rel $0x88, $3  }
0x1: {  	(tag) =	ssettag $0x0;
	lr =	simm.s32 $0x1  }
0x2: {  	[smem:$0x3F97] =	sst lr;
	_ =	strace $0xD0000000  }
0x3: {  	_ = 	snop  }
0x4: {  	_ = 	snop  }
0x5: {  	_ = 	snop  }
0x6: {  	_ = 	snop  }
0x7: {  	_ = 	snop  }
__scs_overlays_trampoline_lowered:
0x8: {  	[smem:$0x3FA6] =	sst s0  }
0x9: {  	[smem:$0x3FA7] =	sst s1  }
0xa: {  	[smem:$0x3FA8] =	sst s2  }
0xb: {  	[smem:$0x3FA9] =	sst s3  }
0xc: {  	[smem:$0x3FAA] =	sst s4  }
0xd: {  	[smem:$0x3FAB] =	sst s5  }
0xe: {  	[smem:$0x3FAC] =	sst s6  }
0xf: {  	[smem:$0x3FAD] =	sst s7  }
0x10: {  	[smem:$0x3FAE] =	sst s8  }
0x11: {  	[smem:$0x3FAF] =	sst s9;
	s0 =	simm.s32 @!p0 $0x0  }
0x12: {  	s1 =	sld [smem:$0x3F95];
	s0 =	simm.s32 @p0 $0x1  }
0x13: {  	[smem:$0x3FB0] =	sst s0;
	s0 =	simm.s32 @!p1 $0x0  }
0x14: {  	s2 =	sld [smem:$0x3F94];
	s0 =	simm.s32 @p1 $0x1  }
0x15: {  	[smem:$0x3FB1] =	sst s0;
	s0 =	simm.s32 @!p2 $0x0  }
0x16: {  	s3 =	sld [smem:$0x3FDB];
	s0 =	simm.s32 @p2 $0x1  }
0x17: {  	s4 =	simm.s32 $0x1BF5;
	[smem:$0x3FB3] =	sst s0  }
0x18: {  	s0 =	sld [smem:$0x3F96];
	_ =	swait.ge [sflag:s4], $0x0  }
0x19: {  	s7 =	sld [smem:$0x3F97]  }
0x1a: {  	s8 =	sadd.s32 $0xFFFFE003, lr  }
0x1b: {  	s9 =	sadd.s32 $0xFFFFFEF7, lr;
	s5 =	simm.s32 $0xFFFFFFFF;
	p2 =	slt.u32 s8, $0xFFFFF086  }
0x1c: {  	p1 =	slt.u32 s9, $0xF7A;
	s5 =	simm.s32 @!p2 $0x0  }
0x1d: {  	s5 =	simm.s32 @p1 $0x1;
	p0 =	seq.s32 s7, s2  }
0x1e: {  	s7 =	smul.u32 @!p0 $0xF7A, s2;
	p2 =	seq.s32 @!p0 s5, $0x0  }
0x1f: {  	s9 =	smul.u32 $0xF7A, s1;
	s8 =	simm.s32 @!p0 $0x1BF5;
	p2 =	por !p2, p0  }
0x20: {  	[sflag:s8] =	ssyncset.s32 @!p0 $0xFFFFF086;
	s6 =	sadd.s32 @!p0 s3, s7;
	s7 =	simm.s32 @!p0 $0x108  }
0x21: {  	s3 =	sadd.s32 s3, s9;
	s6 =	sadd.s32 @!p0 $0x88, s6;
	s7 =	simm.s32 @p2 $0x1082  }
0x22: {  	[simem:s7], [sflag:s8] =	dma.local @!p0 [hbm:s6], $0xF7A  }
0x23: {  	s9 =	sor.u32 $0xD0000000, s2;
	s6 =	simm.s32 $0x108;
	_ =	swait.ge @!p0 [sflag:s8], $0x0  }
0x24: {  	s3 =	sadd.s32 $0x88, s3;
	s6 =	simm.s32 @!p1 $0x1082;
	[sflag:s4] =	ssyncset.s32 $0xFFFFF086  }
0x25: {  	[simem:s6], [sflag:s4] =	dma.local [hbm:s3], $0xF7A  }
0x26: {  	[smem:$0x3F97] =	sst s1;
	(tag) =	ssettag s2;
	_ =	strace s9  }
0x27: {  	s1 =	sld [smem:$0x3FA7]  }
0x28: {  	s2 =	sld [smem:$0x3FA8]  }
0x29: {  	s4 =	sld [smem:$0x3FAA]  }
0x2a: {  	p0 =	seq.s32 s5, $0x0;
	s5 =	sld [smem:$0x3FAB]  }
0x2b: {  	s6 =	sld [smem:$0x3FAC]  }
0x2c: {  	s7 =	sld [smem:$0x3FAD]  }
0x2d: {  	s3 =	simm.s32 $0x108;
	s8 =	sld [smem:$0x3FAE]  }
0x2e: {  	s3 =	simm.s32 @!p0 $0x1082;
	s9 =	sld [smem:$0x3FAF]  }
0x2f: {  	lr =	sadd.s32 s0, s3;
	s0 =	sld [smem:$0x3FA6]  }
0x30: {  	s3 =	sld [smem:$0x3FA9]  }
0x31: {  	[smem:$0x3FB2] =	sst s10  }
0x32: {  	s10 =	sld [smem:$0x3FB0];
	_ =	sdelay $0x3  }
0x33: {  	p0 =	seq.s32 s10, $0x1;
	s10 =	sld [smem:$0x3FB2];
	_ =	sdelay $0x3  }
0x34: {  	[smem:$0x3FB2] =	sst s10  }
0x35: {  	s10 =	sld [smem:$0x3FB1];
	_ =	sdelay $0x3  }
0x36: {  	p1 =	seq.s32 s10, $0x1;
	s10 =	sld [smem:$0x3FB2];
	_ =	sdelay $0x3  }
0x37: {  	[smem:$0x3FB2] =	sst s10  }
0x38: {  	s10 =	sld [smem:$0x3FB3]  }
0x39: {  	_ = 	snop;
	(pc) =	sbr.ind lr, $3  }
0x3a: {  	_ = 	snop  }
0x3b: {  	_ = 	snop  }
0x3c: {  	p2 =	seq.s32 s10, $0x1;
	s10 =	sld [smem:$0x3FB2]  }
0x3d: {  	_ =	shalt  }
0x3e: {  	_ =	shalt  }
0x3f: {  	_ =	shalt  }
0x40: {  	_ =	shalt  }
0x41: {  	_ =	shalt  }
0x42: {  	_ =	shalt  }
0x43: {  	_ =	shalt  }
0x44: {  	_ =	shalt  }
0x45: {  	_ =	shalt  }
0x46: {  	_ =	shalt  }
0x47: {  	_ =	shalt  }
0x48: {  	_ =	shalt  }
0x49: {  	_ =	shalt  }
0x4a: {  	_ =	shalt  }
0x4b: {  	_ =	shalt  }
0x4c: {  	_ =	shalt  }
0x4d: {  	_ =	shalt  }
0x4e: {  	_ =	shalt  }
0x4f: {  	_ =	shalt  }
0x50: {  	_ =	shalt  }
0x51: {  	_ =	shalt  }
0x52: {  	_ =	shalt  }
0x53: {  	_ =	shalt  }
0x54: {  	_ =	shalt  }
0x55: {  	_ =	shalt  }
0x56: {  	_ =	shalt  }
0x57: {  	_ =	shalt  }
0x58: {  	_ =	shalt  }
0x59: {  	_ =	shalt  }
0x5a: {  	_ =	shalt  }
0x5b: {  	_ =	shalt  }
0x5c: {  	_ =	shalt  }
0x5d: {  	_ =	shalt  }
0x5e: {  	_ =	shalt  }
0x5f: {  	_ =	shalt  }
0x60: {  	_ =	shalt  }
0x61: {  	_ =	shalt  }
0x62: {  	_ =	shalt  }
0x63: {  	_ =	shalt  }
0x64: {  	_ =	shalt  }
0x65: {  	_ =	shalt  }
0x66: {  	_ =	shalt  }
0x67: {  	_ =	shalt  }
0x68: {  	_ =	shalt  }
0x69: {  	_ =	shalt  }
0x6a: {  	_ =	shalt  }
0x6b: {  	_ =	shalt  }
0x6c: {  	_ =	shalt  }
0x6d: {  	_ =	shalt  }
0x6e: {  	_ =	shalt  }
0x6f: {  	_ =	shalt  }
0x70: {  	_ =	shalt  }
0x71: {  	_ =	shalt  }
0x72: {  	_ =	shalt  }
0x73: {  	_ =	shalt  }
0x74: {  	_ =	shalt  }
0x75: {  	_ =	shalt  }
0x76: {  	_ =	shalt  }
0x77: {  	_ =	shalt  }
0x78: {  	_ =	shalt  }
0x79: {  	_ =	shalt  }
0x7a: {  	_ =	shalt  }
0x7b: {  	_ =	shalt  }
0x7c: {  	_ =	shalt  }
0x7d: {  	_ =	shalt  }
0x7e: {  	_ =	shalt  }
0x7f: {  	_ =	shalt  }
0x80: {  	_ =	shalt  }
0x81: {  	_ =	shalt  }
0x82: {  	_ =	shalt  }
0x83: {  	_ =	shalt  }
0x84: {  	_ =	shalt  }
0x85: {  	_ =	shalt  }
0x86: {  	_ =	shalt  }
0x87: {  	_ =	shalt  }
.Lfunc_end0:
.L_simem_size_0:
called_computation.1_lowered:
.L_overlay_start_0:
0x88: {  	s2 =	sld [smem:$0x3FD9]  }
0x89: {  	s3 =	sld [smem:$0x3FFE];
	_ =	sdelay $0x1  }
0x8a: {  	s1 =	srdreg.scid  }
0x8b: {  	s0 =	sand.u32 $0x1, s1  }
0x8c: {  	s16 =	sshll.u32 s0, $0xA;
	s2 =	sadd.s32 s3, s2  }
0x8d: {  	s2 =	sadd.s32 s2, s16  }
0x8e: {  	[smem:$0x3FBE] =	sst s2  }
0x8f: {  	_ = 	snop  }
0x90: {  	(tm) =	ssettm $0x1  }
0x91: {  	s17 =	sld [smem:$0x3FFB];
	_ =	sdelay $0x3  }
0x92: {  	_ =	strace s17  }
0x93: {  	s2 =	sld [smem:$0x3FFC];
	_ =	sdelay $0x3  }
0x94: {  	_ =	strace s2  }
0x95: {  	s2 =	sld [smem:$0x3FFD];
	_ =	sdelay $0x3  }
0x96: {  	_ =	strace s2  }
0x97: {  	_ =	strace $0x8FFFFFFF  }
0x98: {  	s18 =	sld [smem:$0x3FDB];
	_ =	sdelay $0x1  }
0x99: {  	s19 =	simm.s32 $_scs_section_size  }
0x9a: {  	s4 =	simm.s32 $_size__tile_overlayer_lowered;
	s5 =	simm.s32 $_tile_overlayer_lowered  }
0x9b: {  	s22 =	simm.s32 $0x1BFF;
	s21 =	sshll.u32 s5, $0x1;
	s2 =	sadd.s32 s19, s18  }
0x9c: {  	s6 =	simm.s32 $0x0;
	s20 =	sshll.u32 s4, $0x1;
	s4 =	sadd.s32 s21, s2  }
0x9d: {  	[timem:s6], [sflag:s22] =	dma.local [hbm:s4], s20  }
0x9e: {  	_ =	swait.ge [sflag:s22], s20  }
0x9f: {  	s3 =	ssub.s32 $0x0, s20;
	[sflag:s22] =	ssyncset.done $0x0  }
0xa0: {  	[sflag:s22] =	ssyncadd.s32 s3;
	_ =	sdelay $0x1  }
0xa1: {  	s23 =	simm.s32 $0x1B8B  }
0xa2: {  	_ =	swait.ge [sflag:s23], $0x1  }
0xa3: {  	[sflag:s23] =	ssyncset.done $0x0  }
0xa4: {  	s25 =	simm.s32 $0x1B8E;
	s24 =	sld [smem:$0x3FFE];
	[sflag:s23] =	ssyncadd.s32 $0xFFFFFFFF  }
0xa5: {  	s26 =	simm.s32 $execute0_lowered;
	[smem:$0x3FD2] =	sst s25  }
0xa6: {  	s4 =	sshll.u32 s26, $0x1;
	_ =	strace $0x80000049;
	[dreg:$0x1] =	wrdreg $0xFFFFFFFF  }
0xa7: {  	s28 =	simm.s32 $_size_execute0_lowered;
	s2 =	sadd.s32 s2, s4;
	[dreg:$0x0] =	wrdreg $0x0  }
0xa8: {  	s4 =	sshll.u32 s28, $0x1;
	[dreg:$0x2] =	wrdreg s2  }
0xa9: {  	[dreg:$0x3] =	wrdreg s4  }
0xaa: {  	[dreg:$0x4] =	wrdreg $0xC0  }
0xab: {  	_ =	task [dreg:s6], $0x5FFFF  }
0xac: {  	[dreg:$0x1] =	wrdreg $0xFFFFFFFF  }
0xad: {  	[dreg:$0x0] =	wrdreg $0x60  }
0xae: {  	[dreg:$0x2] =	wrdreg s24  }
0xaf: {  	[dreg:$0x3] =	wrdreg $0x82000  }
0xb0: {  	[dreg:$0x4] =	wrdreg $0x9  }
0xb1: {  	_ =	task.clear_ibuf [dreg:s6], $0x5FFFF;
	_ =	strace $0x90000049  }
0xb2: {  	s29 =	simm.s32 $0x9;
	_ =	strace $0x8000004B  }
0xb3: {  	_ =	swait.ge [sflag:s29], $0x1  }
0xb4: {  	[sflag:s29] =	ssyncadd.s32 $0xFFFFFFFF  }
0xb5: {  	_ =	strace $0x9000004B  }
0xb6: {  	_ =	sfence  }
0xb7: {  	s30 =	sld [smem:$0x0];
	_ =	sdelay $0x2  }
0xb8: {  	s31 =	sshll.u32 s1, $0xD;
	s1 =	sshrl.u32 s1, $0x2  }
0xb9: {  	s3 =	sand.u32 $0x4000, s31;
	s1 =	sadd.s32 s1, s30  }
0xba: {  	s0 =	sor.u32 s3, s0;
	s1 =	sshll.u32 s1, $0x11  }
0xbb: {  	s0 =	sor.u32 s1, s0  }
0xbc: {  	s0 =	sadd.s32 $0x8F2B, s0  }
0xbd: {  	[sflag:s0] =	ssyncadd.remote.s32 $0x1  }
0xbe: {  	_ =	sfence.sel $0xFFFF  }
0xbf: {  	[dreg:$0x0] =	wrdreg $0xFFFFFFFF;
	(pc) =	sbr.abs _section_cstart, $3  }
0xc0: {  	[dreg:$0x1] =	wrdreg $0xFFFFFFFF  }
0xc1: {  	_ =	task.clear_ibuf [dreg:s6], $0x2FFFF;
	_ =	strace $0x9FFFFFFF  }
0xc2: {  	(tm) =	ssettm $0x7FFFFFFF  }
0xc3: {  	_ =	shalt  }
tec
execute0_lowered:
.L_overlay_start_1:
0x0: {  	(tag) =	ssettag $0x1  }
0x1: {  	s9 =	rddreg [dreg:$0x0]  }
0x2: {  	s2 =	rddreg [dreg:$0x1]  }
0x3: {  	s0 =	rddreg [dreg:$0x2];
	s3 =	simm.s32 $0x0;
	s4 =	srdreg.scid  }
0x4: {  	s1 =	stileid.u32;
	s15 =	simm.s32 $0x80;
	s16 =	simm.s32 $0x200  }
0x5: {  	s17 =	simm.s32 $0x100;
	s18 =	simm.s32 $0x1;
	s19 =	simm.s32 $0x4200  }
0x6: {  	s21 =	simm.s32 $0x2;
	s22 =	simm.s32 $0x0;
	[smem:$0x7FF] =	sst s3  }
0x7: {  	s7 =	sand.u32 $0x1, s4;
	s8 =	smul.u32 $0x278, s1;
	s4 =	sadd.s32 $0xEA00, s9  }
0x8: {  	s5 =	sadd.s32 $0x67A00, s9;
	s6 =	sadd.s32 $0x5DA00, s9;
	s11 =	smul.u32 $0x4F000, s1  }
0x9: {  	s30 =	sshll.u32 s1, $0x6;
	s20 =	smul.u32 $0x2780, s7;
	s10 =	ssub.s32 $0x2, s7  }
0xa: {  	_ =	strace $0x8000004A;
	s7 =	smul.u32 $0x5000, s1;
	s13 =	sshrl.u32 s10, $0x1  }
0xb: {  	s29 =	sshrl.u32 s11, $0x2;
	s8 =	sadd.s32 s8, s20;
	s13 =	ssub.s32 s10, s13  }
0xc: {  	s31 =	sshrl.u32 s7, $0x3;
	s14 =	sadd.s32 s29, s2;
	s12 =	sshll.u32 s8, $0x4  }
0xd: {  	v0 =	vmov s20;
	s20 =	simm.s32 $0x180;
	s8 =	sadd.s32 $0xC200, s9;
	s12 =	sadd.s32 s12, s9  }
0xe: {  	s10 =	sadd.s32 s5, s31;
	s9 =	sor.u32 $0x1C03, s30;
	s11 =	sadd.s32 $0x71A00, s12  }
0xf: {  	s12 =	smax.u32 s13, $0x1;
	s13 =	sshrl.u32 s14, $0x3;
	s14 =	simm.s32 $0x3  }
.LBB2_1:
0x10: {  	[spmem:s13], [sflag:s9] =	dma.local [hbm:s8], $0x2780  }
0x11: {  	_ =	swait.ge [sflag:s14], $0x2780  }
0x12: {  	[sflag:s14] =	ssyncset.done $0x0  }
0x13: {  	[sflag:s14] =	ssyncadd.s32 $0xFFFFD880  }
0x14: {  	[bflag:$0x0] =	sbarrier.arrive $0xFFFF  }
0x15: {  	[tilespmem:s3], [sflag:$0x3] =	stream.linear.gather [hbm4b:s10+s3], $0x80, $0x38;
	[tilespmem:$0x1BE00] =	vst v63  }
0x16: {  	_ =	swait.ge [sflag:s14], $0x80  }
0x17: {  	[sflag:s14] =	ssyncset.done $0x0  }
0x18: {  	[sflag:s14] =	ssyncadd.s32 $0xFFFFFF80  }
0x19: {  	v1 =	vld [tilespmem:$0x0]  }
0x1a: {  	v2 =	vld [tilespmem:$0x10]  }
0x1b: {  	v3 =	vld [tilespmem:$0x20]  }
0x1c: {  	v4 =	vld [tilespmem:$0x30]  }
0x1d: {  	v5 =	vld [tilespmem:$0x40]  }
0x1e: {  	v6 =	vld [tilespmem:$0x50];
	v1 =	vadd.s32 v0, v1  }
0x1f: {  	[tilespmem:$0x0] =	vst v1;
	v1 =	vadd.s32 v0, v2;
	v2 =	vld [tilespmem:$0x60]  }
0x20: {  	[tilespmem:$0x10] =	vst v1;
	v1 =	vadd.s32 v0, v3;
	v3 =	vld [tilespmem:$0x70]  }
0x21: {  	[tilespmem:$0x20] =	vst v1;
	v1 =	vadd.s32 v0, v4  }
0x22: {  	s23 =	simm.s32 $0x0;
	[tilespmem:$0x30] =	vst v1;
	v1 =	vadd.s32 v0, v5  }
0x23: {  	s24 =	sand.u32 $0x7C00, s23;
	[tilespmem:$0x40] =	vst v1;
	v1 =	vadd.s32 v0, v6  }
0x24: {  	s23 =	sand.u32 $0x300, s23;
	s24 =	sadd.s32 s7, s24;
	[tilespmem:$0x50] =	vst v1;
	v1 =	vadd.s32 v0, v2  }
0x25: {  	s23 =	sor.u32 s23, s24;
	[tilespmem:$0x60] =	vst v1;
	v1 =	vadd.s32 v0, v3  }
0x26: {  	s23 =	sshrl.u32 s23, $0x3;
	[tilespmem:$0x70] =	vst v1  }
0x27: {  	[tilespmem:s16], [sflag:$0x1] =	stream.indirect.gather [hbm4b:s4+s15], $0x80, s3, s15, $0xb8;
	[tilespmem:$0x1BE00] =	vst v63  }
0x28: {  	s29 =	sadd.s32 s6, s23  }
0x29: {  	[tilespmem:s17], [sflag:$0x3] =	stream.linear.gather [hbm4b:s29+s3], $0x80, $0x38;
	[tilespmem:$0x1BE00] =	vst v63  }
0x2a: {  	_ =	swait.ge [sflag:s14], $0x80  }
0x2b: {  	s23 =	sor.u32 $0x10, s23;
	[sflag:s14] =	ssyncset.done $0x0  }
0x2c: {  	s30 =	sadd.s32 s5, s23;
	[sflag:s14] =	ssyncadd.s32 $0xFFFFFF80  }
0x2d: {  	[tilespmem:s15], [sflag:$0x3] =	stream.linear.gather [hbm4b:s30+s3], $0x80, $0x38;
	[tilespmem:$0x1BE00] =	vst v63  }
0x2e: {  	_ =	swait.ge [sflag:s14], $0x80  }
0x2f: {  	[sflag:s14] =	ssyncset.done $0x0  }
0x30: {  	[sflag:s14] =	ssyncadd.s32 $0xFFFFFF80  }
0x31: {  	v1 =	vld [tilespmem:$0xB0]  }
0x32: {  	v2 =	vld [tilespmem:$0x90]  }
0x33: {  	v3 =	vld [tilespmem:$0xE0]  }
0x34: {  	v5 =	vld [tilespmem:$0xD0]  }
0x35: {  	v4 =	vld [tilespmem:$0xF0]  }
0x36: {  	v7 =	vld [tilespmem:$0xA0];
	v1 =	vadd.s32 v0, v1  }
0x37: {  	v62 =	vld [tilespmem:$0xC0];
	v2 =	vadd.s32 v0, v2;
	[tilespmem:$0xB0] =	vst v1  }
0x38: {  	v1 =	vld [tilespmem:$0x80];
	[tilespmem:$0x90] =	vst v2;
	v2 =	vadd.s32 v0, v3  }
0x39: {  	v3 =	vadd.s32 v0, v5;
	[tilespmem:$0xE0] =	vst v2  }
0x3a: {  	v2 =	vadd.s32 v0, v4;
	[tilespmem:$0xD0] =	vst v3  }
0x3b: {  	v3 =	vadd.s32 v0, v7;
	[tilespmem:$0xF0] =	vst v2  }
0x3c: {  	v2 =	vadd.s32 v0, v62;
	[tilespmem:$0xA0] =	vst v3  }
0x3d: {  	[tilespmem:$0xC0] =	vst v2;
	v1 =	vadd.s32 v0, v1  }
0x3e: {  	s31 =	sand.u32 $0xFC00, s17;
	[tilespmem:$0x80] =	vst v1  }
0x3f: {  	s25 =	sand.u32 $0x300, s17;
	s24 =	sadd.s32 s7, s31;
	_ =	swait.ge [sflag:s18], $0x4000  }
0x40: {  	s24 =	sor.u32 s25, s24;
	[sflag:s18] =	ssyncset.done $0x0  }
0x41: {  	s24 =	sshrl.u32 s24, $0x3;
	[sflag:s18] =	ssyncadd.s32 $0xFFFFC000  }
0x42: {  	[tilespmem:s19], [sflag:$0x2] =	stream.indirect.gather [hbm4b:s4+s15], $0x80, s15, s15, $0xb8;
	[tilespmem:$0x1BE00] =	vst v63  }
0x43: {  	s24 =	sadd.s32 s5, s24  }
0x44: {  	[tilespmem:s3], [sflag:$0x3] =	stream.linear.gather [hbm4b:s24+s3], $0x80, $0x38;
	[tilespmem:$0x1BE00] =	vst v63  }
0x45: {  	_ =	swait.ge [sflag:s14], $0x80  }
0x46: {  	[sflag:s14] =	ssyncset.done $0x0  }
0x47: {  	[sflag:s14] =	ssyncadd.s32 $0xFFFFFF80  }
0x48: {  	v1 =	vld [tilespmem:$0x0]  }
0x49: {  	v2 =	vld [tilespmem:$0x30]  }
0x4a: {  	v3 =	vld [tilespmem:$0x20]  }
0x4b: {  	v4 =	vld [tilespmem:$0x40];
	_ =	sdelay $0x2  }
0x4c: {  	v5 =	vld [tilespmem:$0x50];
	v1 =	vadd.s32 v0, v1  }
0x4d: {  	v63 =	vld [tilespmem:$0x60];
	[tilespmem:$0x0] =	vst v1;
	v1 =	vadd.s32 v0, v2;
	v2 =	vadd.s32 v0, v3  }
0x4e: {  	[tilespmem:$0x20] =	vst v2;
	v2 =	vadd.s32 v0, v4  }
0x4f: {  	[tilespmem:$0x40] =	vst v2;
	v2 =	vld [tilespmem:$0x10]  }
0x50: {  	[tilespmem:$0x30] =	vst v1;
	v1 =	vld [tilespmem:$0x70]  }
0x51: {  	v3 =	vadd.s32 v0, v5  }
0x52: {  	s24 =	simm.s32 $0x200;
	[tilespmem:$0x50] =	vst v3;
	v3 =	vadd.s32 v0, v63  }
.LBB2_2:
0x53: {  	p0 =	sne.s32 s24, $0x4F00;
	s25 =	smov.u32 s24;
	s24 =	sadd.s32 $0x100, s24  }
0x54: {  	v2 =	vadd.s32 v0, v2;
	[tilespmem:$0x60] =	vst v3  }
0x55: {  	v1 =	vadd.s32 v0, v1;
	[tilespmem:$0x10] =	vst v2;
	_ =	sdelay $0x1  }
0x56: {  	[tilespmem:$0x70] =	vst v1  }
0x57: {  	[spmem:s2] =	stream.indirect.scatter.add.f32 [tilespmem:s16], [sflag:$0x3], $0x80, s17, s15, $0xb8;
	[tilespmem:$0x1BE00] =	vst v63  }
0x58: {  	_ =	swait.ge [sflag:s14], $0x4000  }
0x59: {  	[sflag:s14] =	ssyncset.done $0x0  }
0x5a: {  	s23 =	sadd.s32 s6, s23;
	[sflag:s14] =	ssyncadd.s32 $0xFFFFC000  }
0x5b: {  	[tilespmem:s16], [sflag:$0x1] =	stream.indirect.gather [hbm4b:s4+s15], $0x80, s3, s15, $0xb8;
	[tilespmem:$0x1BE00] =	vst v63  }
0x5c: {  	s26 =	sadd.s32 $0xFFFFFF00, s25  }
0x5d: {  	[tilespmem:s20], [sflag:$0x3] =	stream.linear.gather [hbm4b:s23+s3], $0x80, $0x38;
	[tilespmem:$0x1BE00] =	vst v63  }
0x5e: {  	s23 =	sand.u32 $0x7C00, s26;
	_ =	swait.ge [sflag:s14], $0x80  }
0x5f: {  	s26 =	sand.u32 $0x300, s26;
	s23 =	sadd.s32 s7, s23;
	[sflag:s14] =	ssyncset.done $0x0  }
0x60: {  	s23 =	sor.u32 s26, s23;
	[sflag:s14] =	ssyncadd.s32 $0xFFFFFF80  }
0x61: {  	s23 =	sshrl.u32 s23, $0x3;
	_ =	swait.ge [sflag:s21], $0x4000  }
0x62: {  	[sflag:s21] =	ssyncset.done $0x0  }
0x63: {  	[sflag:s21] =	ssyncadd.s32 $0xFFFFC000  }
0x64: {  	[spmem:s2] =	stream.indirect.scatter.add.f32 [tilespmem:s19], [sflag:$0x3], $0x80, s20, s15, $0xb8;
	[tilespmem:$0x1BE00] =	vst v63  }
0x65: {  	s26 =	sadd.s32 s6, s23;
	_ =	swait.ge [sflag:s14], $0x4000  }
0x66: {  	[sflag:s14] =	ssyncset.done $0x0  }
0x67: {  	s23 =	sor.u32 $0x10, s23;
	[sflag:s14] =	ssyncadd.s32 $0xFFFFC000  }
0x68: {  	[tilespmem:s17], [sflag:$0x3] =	stream.linear.gather [hbm4b:s26+s3], $0x80, $0x38;
	[tilespmem:$0x1BE00] =	vst v63  }
0x69: {  	s26 =	sadd.s32 s5, s23;
	_ =	swait.ge [sflag:s14], $0x80  }
0x6a: {  	[sflag:s14] =	ssyncset.done $0x0  }
0x6b: {  	[sflag:s14] =	ssyncadd.s32 $0xFFFFFF80  }
0x6c: {  	[tilespmem:s15], [sflag:$0x3] =	stream.linear.gather [hbm4b:s26+s3], $0x80, $0x38;
	[tilespmem:$0x1BE00] =	vst v63  }
0x6d: {  	_ =	swait.ge [sflag:s14], $0x80  }
0x6e: {  	[sflag:s14] =	ssyncset.done $0x0  }
0x6f: {  	[sflag:s14] =	ssyncadd.s32 $0xFFFFFF80  }
0x70: {  	v1 =	vld [tilespmem:$0xB0]  }
0x71: {  	v2 =	vld [tilespmem:$0x90]  }
0x72: {  	v3 =	vld [tilespmem:$0xE0]  }
0x73: {  	v4 =	vld [tilespmem:$0xF0]  }
0x74: {  	v5 =	vld [tilespmem:$0xD0]  }
0x75: {  	v1 =	vadd.s32 v0, v1;
	v6 =	vld [tilespmem:$0xC0]  }
0x76: {  	v2 =	vadd.s32 v0, v2;
	v7 =	vld [tilespmem:$0xA0];
	[tilespmem:$0xB0] =	vst v1  }
0x77: {  	v1 =	vld [tilespmem:$0x80];
	[tilespmem:$0x90] =	vst v2;
	v2 =	vadd.s32 v0, v3  }
0x78: {  	[tilespmem:$0xE0] =	vst v2;
	v2 =	vadd.s32 v0, v4  }
0x79: {  	v3 =	vadd.s32 v0, v5;
	[tilespmem:$0xF0] =	vst v2  }
0x7a: {  	v2 =	vadd.s32 v0, v6;
	[tilespmem:$0xD0] =	vst v3  }
0x7b: {  	v3 =	vadd.s32 v0, v7;
	[tilespmem:$0xC0] =	vst v2  }
0x7c: {  	v1 =	vadd.s32 v0, v1;
	[tilespmem:$0xA0] =	vst v3  }
0x7d: {  	s26 =	sand.u32 $0xFC00, s25;
	[tilespmem:$0x80] =	vst v1  }
0x7e: {  	s25 =	sand.u32 $0x300, s25;
	s26 =	sadd.s32 s7, s26;
	_ =	swait.ge [sflag:s18], $0x4000  }
0x7f: {  	s25 =	sor.u32 s25, s26;
	[sflag:s18] =	ssyncset.done $0x0  }
0x80: {  	s25 =	sshrl.u32 s25, $0x3;
	[sflag:s18] =	ssyncadd.s32 $0xFFFFC000  }
0x81: {  	[tilespmem:s19], [sflag:$0x2] =	stream.indirect.gather [hbm4b:s4+s15], $0x80, s15, s15, $0xb8;
	[tilespmem:$0x1BE00] =	vst v63  }
0x82: {  	s25 =	sadd.s32 s5, s25  }
0x83: {  	[tilespmem:s3], [sflag:$0x3] =	stream.linear.gather [hbm4b:s25+s3], $0x80, $0x38;
	[tilespmem:$0x1BE00] =	vst v63  }
0x84: {  	_ =	swait.ge [sflag:s14], $0x80  }
0x85: {  	[sflag:s14] =	ssyncset.done $0x0  }
0x86: {  	[sflag:s14] =	ssyncadd.s32 $0xFFFFFF80  }
0x87: {  	v1 =	vld [tilespmem:$0x0]  }
0x88: {  	v2 =	vld [tilespmem:$0x30]  }
0x89: {  	v3 =	vld [tilespmem:$0x20]  }
0x8a: {  	v4 =	vld [tilespmem:$0x40]  }
0x8b: {  	v5 =	vld [tilespmem:$0x50]  }
0x8c: {  	v1 =	vadd.s32 v0, v1;
	v6 =	vld [tilespmem:$0x60]  }
.Ltmp0:
0x8d: {  	[tilespmem:$0x0] =	vst v1;
	v7 =	vadd.s32 v0, v2;
	v1 =	vld [tilespmem:$0x70];
	(pc) =	sbr.rel @p0 .LBB2_2-.Ltmp0, $4  }
0x8e: {  	v2 =	vld [tilespmem:$0x10];
	v3 =	vadd.s32 v0, v3;
	[tilespmem:$0x30] =	vst v7  }
0x8f: {  	[tilespmem:$0x20] =	vst v3;
	v3 =	vadd.s32 v0, v4  }
0x90: {  	[tilespmem:$0x40] =	vst v3;
	v3 =	vadd.s32 v0, v5  }
0x91: {  	[tilespmem:$0x50] =	vst v3;
	v3 =	vadd.s32 v0, v6  }
0x92: {  	[tilespmem:$0x60] =	vst v3;
	v1 =	vadd.s32 v0, v1  }
0x93: {  	v2 =	vadd.s32 v0, v2;
	[tilespmem:$0x70] =	vst v1  }
0x94: {  	[tilespmem:$0x10] =	vst v2  }
0x95: {  	[spmem:s2] =	stream.indirect.scatter.add.f32 [tilespmem:s16], [sflag:$0x3], $0x80, s17, s15, $0xb8;
	[tilespmem:$0x1BE00] =	vst v63  }
0x96: {  	_ =	swait.ge [sflag:s14], $0x4000  }
0x97: {  	[sflag:s14] =	ssyncset.done $0x0  }
0x98: {  	[sflag:s14] =	ssyncadd.s32 $0xFFFFC000  }
0x99: {  	[tilespmem:s16], [sflag:$0x1] =	stream.indirect.gather [hbm4b:s4+s15], $0x80, s3, s15, $0xb8;
	[tilespmem:$0x1BE00] =	vst v63  }
0x9a: {  	s23 =	sadd.s32 s6, s23  }
0x9b: {  	[tilespmem:s20], [sflag:$0x3] =	stream.linear.gather [hbm4b:s23+s3], $0x80, $0x38;
	[tilespmem:$0x1BE00] =	vst v63  }
0x9c: {  	_ =	swait.ge [sflag:s14], $0x80  }
0x9d: {  	[sflag:s14] =	ssyncset.done $0x0  }
0x9e: {  	[sflag:s14] =	ssyncadd.s32 $0xFFFFFF80  }
0x9f: {  	_ =	swait.ge [sflag:s21], $0x4000  }
0xa0: {  	[sflag:s21] =	ssyncset.done $0x0  }
0xa1: {  	[sflag:s21] =	ssyncadd.s32 $0xFFFFC000  }
0xa2: {  	[spmem:s2] =	stream.indirect.scatter.add.f32 [tilespmem:s19], [sflag:$0x3], $0x80, s20, s15, $0xb8;
	[tilespmem:$0x1BE00] =	vst v63  }
0xa3: {  	_ =	swait.ge [sflag:s14], $0x4000  }
0xa4: {  	[sflag:s14] =	ssyncset.done $0x0  }
0xa5: {  	[sflag:s14] =	ssyncadd.s32 $0xFFFFC000  }
0xa6: {  	_ =	swait.ge [sflag:s18], $0x4000  }
0xa7: {  	s22 =	sadd.s32 $0x1, s22;
	[sflag:s18] =	ssyncset.done $0x0  }
0xa8: {  	p0 =	sne.s32 s22, s12;
	[sflag:s18] =	ssyncadd.s32 $0xFFFFC000  }
.Ltmp1:
0xa9: {  	[bflag:$0x0] =	sbarrier.arrive $0xFFFF;
	(pc) =	sbr.rel @p0 .LBB2_1-.Ltmp1, $4  }
0xaa: {  	[hbm:s11], [sflag:s9] =	dma.local [spmem:s13], $0x2780  }
0xab: {  	_ =	swait.ge [sflag:s14], $0x2780  }
0xac: {  	[sflag:s14] =	ssyncset.done $0x0  }
0xad: {  	[sflag:s14] =	ssyncadd.s32 $0xFFFFD880  }
0xae: {  	_ =	sfence.sel $0x180000  }
0xaf: {  	[bflag:$0x0] =	sbarrier.arrive $0xFFFF  }
0xb0: {  	p0 =	sne.s32 s1, $0x0;
	_ =	strace $0x9000004A  }
0xb1: {  	s0 =	sadd.s32 @!p0 $0x100000, s0;
	[bflag:$0x2] =	sbarrier.arrive $0xFFFF  }
0xb2: {  	[sflag:s0] =	ssyncadd.tile.s32 @!p0 $0x1;
	_ =	shalt  }
.Lfunc_end2:
_tile_overlayer_lowered:
.L_overlay_start_2:
0xb3: {  	(tag) =	ssettag $0x2  }
0xb4: {  	s0 =	rddreg [dreg:$0x0];
	s2 =	stileid.u32  }
0xb5: {  	s1 =	rddreg [dreg:$0x1];
	p0 =	sne.s32 s2, $0x0  }
0xb6: {  	s3 =	rddreg [dreg:$0x2];
	[bflag:$0x3] =	sbarrier.arrive $0xFFFF;
	s2 =	simm.s32 @!p0 $0x1C03  }
0xb7: {  	[timem:s3], [sflag:s2] =	dma.local @!p0 [hbm:s0], s1  }
0xb8: {  	s0 =	simm.s32 @!p0 $0x3  }
0xb9: {  	_ =	swait.ge @!p0 [sflag:s0], s1  }
0xba: {  	s1 =	ssub.s32 @!p0 $0x0, s1;
	[sflag:s0] =	ssyncset.done @!p0 $0x0  }
0xbb: {  	[sflag:s0] =	ssyncadd.s32 @!p0 s1  }
0xbc: {  	[bflag:$0x3] =	sbarrier.arrive $0xFFFF  }
0xbd: {  	_ =	shalt  }

// kernel: kernel.14.cloned.1.call-start
scs
__scs_entry_jumppad:
0x0: {  	(pc) =	sbr.rel $0x88, $3  }
0x1: {  	(tag) =	ssettag $0x0;
	lr =	simm.s32 $0x1  }
0x2: {  	[smem:$0x3F97] =	sst lr;
	_ =	strace $0xD0000000  }
0x3: {  	_ = 	snop  }
0x4: {  	_ = 	snop  }
0x5: {  	_ = 	snop  }
0x6: {  	_ = 	snop  }
0x7: {  	_ = 	snop  }
__scs_overlays_trampoline_lowered:
0x8: {  	[smem:$0x3FA6] =	sst s0  }
0x9: {  	[smem:$0x3FA7] =	sst s1  }
0xa: {  	[smem:$0x3FA8] =	sst s2  }
0xb: {  	[smem:$0x3FA9] =	sst s3  }
0xc: {  	[smem:$0x3FAA] =	sst s4  }
0xd: {  	[smem:$0x3FAB] =	sst s5  }
0xe: {  	[smem:$0x3FAC] =	sst s6  }
0xf: {  	[smem:$0x3FAD] =	sst s7  }
0x10: {  	[smem:$0x3FAE] =	sst s8  }
0x11: {  	[smem:$0x3FAF] =	sst s9;
	s0 =	simm.s32 @!p0 $0x0  }
0x12: {  	s1 =	sld [smem:$0x3F95];
	s0 =	simm.s32 @p0 $0x1  }
0x13: {  	[smem:$0x3FB0] =	sst s0;
	s0 =	simm.s32 @!p1 $0x0  }
0x14: {  	s2 =	sld [smem:$0x3F94];
	s0 =	simm.s32 @p1 $0x1  }
0x15: {  	[smem:$0x3FB1] =	sst s0;
	s0 =	simm.s32 @!p2 $0x0  }
0x16: {  	s3 =	sld [smem:$0x3FDB];
	s0 =	simm.s32 @p2 $0x1  }
0x17: {  	s4 =	simm.s32 $0x1BF5;
	[smem:$0x3FB3] =	sst s0  }
0x18: {  	s0 =	sld [smem:$0x3F96];
	_ =	swait.ge [sflag:s4], $0x0  }
0x19: {  	s7 =	sld [smem:$0x3F97]  }
0x1a: {  	s8 =	sadd.s32 $0xFFFFE003, lr  }
0x1b: {  	s9 =	sadd.s32 $0xFFFFFEF7, lr;
	s5 =	simm.s32 $0xFFFFFFFF;
	p2 =	slt.u32 s8, $0xFFFFF086  }
0x1c: {  	p1 =	slt.u32 s9, $0xF7A;
	s5 =	simm.s32 @!p2 $0x0  }
0x1d: {  	s5 =	simm.s32 @p1 $0x1;
	p0 =	seq.s32 s7, s2  }
0x1e: {  	s7 =	smul.u32 @!p0 $0xF7A, s2;
	p2 =	seq.s32 @!p0 s5, $0x0  }
0x1f: {  	s9 =	smul.u32 $0xF7A, s1;
	s8 =	simm.s32 @!p0 $0x1BF5;
	p2 =	por !p2, p0  }
0x20: {  	[sflag:s8] =	ssyncset.s32 @!p0 $0xFFFFF086;
	s6 =	sadd.s32 @!p0 s3, s7;
	s7 =	simm.s32 @!p0 $0x108  }
0x21: {  	s3 =	sadd.s32 s3, s9;
	s6 =	sadd.s32 @!p0 $0x88, s6;
	s7 =	simm.s32 @p2 $0x1082  }
0x22: {  	[simem:s7], [sflag:s8] =	dma.local @!p0 [hbm:s6], $0xF7A  }
0x23: {  	s9 =	sor.u32 $0xD0000000, s2;
	s6 =	simm.s32 $0x108;
	_ =	swait.ge @!p0 [sflag:s8], $0x0  }
0x24: {  	s3 =	sadd.s32 $0x88, s3;
	s6 =	simm.s32 @!p1 $0x1082;
	[sflag:s4] =	ssyncset.s32 $0xFFFFF086  }
0x25: {  	[simem:s6], [sflag:s4] =	dma.local [hbm:s3], $0xF7A  }
0x26: {  	[smem:$0x3F97] =	sst s1;
	(tag) =	ssettag s2;
	_ =	strace s9  }
0x27: {  	s1 =	sld [smem:$0x3FA7]  }
0x28: {  	s2 =	sld [smem:$0x3FA8]  }
0x29: {  	s4 =	sld [smem:$0x3FAA]  }
0x2a: {  	p0 =	seq.s32 s5, $0x0;
	s5 =	sld [smem:$0x3FAB]  }
0x2b: {  	s6 =	sld [smem:$0x3FAC]  }
0x2c: {  	s7 =	sld [smem:$0x3FAD]  }
0x2d: {  	s3 =	simm.s32 $0x108;
	s8 =	sld [smem:$0x3FAE]  }
0x2e: {  	s3 =	simm.s32 @!p0 $0x1082;
	s9 =	sld [smem:$0x3FAF]  }
0x2f: {  	lr =	sadd.s32 s0, s3;
	s0 =	sld [smem:$0x3FA6]  }
0x30: {  	s3 =	sld [smem:$0x3FA9]  }
0x31: {  	[smem:$0x3FB2] =	sst s10  }
0x32: {  	s10 =	sld [smem:$0x3FB0];
	_ =	sdelay $0x3  }
0x33: {  	p0 =	seq.s32 s10, $0x1;
	s10 =	sld [smem:$0x3FB2];
	_ =	sdelay $0x3  }
0x34: {  	[smem:$0x3FB2] =	sst s10  }
0x35: {  	s10 =	sld [smem:$0x3FB1];
	_ =	sdelay $0x3  }
0x36: {  	p1 =	seq.s32 s10, $0x1;
	s10 =	sld [smem:$0x3FB2];
	_ =	sdelay $0x3  }
0x37: {  	[smem:$0x3FB2] =	sst s10  }
0x38: {  	s10 =	sld [smem:$0x3FB3]  }
0x39: {  	_ = 	snop;
	(pc) =	sbr.ind lr, $3  }
0x3a: {  	_ = 	snop  }
0x3b: {  	_ = 	snop  }
0x3c: {  	p2 =	seq.s32 s10, $0x1;
	s10 =	sld [smem:$0x3FB2]  }
0x3d: {  	_ =	shalt  }
0x3e: {  	_ =	shalt  }
0x3f: {  	_ =	shalt  }
0x40: {  	_ =	shalt  }
0x41: {  	_ =	shalt  }
0x42: {  	_ =	shalt  }
0x43: {  	_ =	shalt  }
0x44: {  	_ =	shalt  }
0x45: {  	_ =	shalt  }
0x46: {  	_ =	shalt  }
0x47: {  	_ =	shalt  }
0x48: {  	_ =	shalt  }
0x49: {  	_ =	shalt  }
0x4a: {  	_ =	shalt  }
0x4b: {  	_ =	shalt  }
0x4c: {  	_ =	shalt  }
0x4d: {  	_ =	shalt  }
0x4e: {  	_ =	shalt  }
0x4f: {  	_ =	shalt  }
0x50: {  	_ =	shalt  }
0x51: {  	_ =	shalt  }
0x52: {  	_ =	shalt  }
0x53: {  	_ =	shalt  }
0x54: {  	_ =	shalt  }
0x55: {  	_ =	shalt  }
0x56: {  	_ =	shalt  }
0x57: {  	_ =	shalt  }
0x58: {  	_ =	shalt  }
0x59: {  	_ =	shalt  }
0x5a: {  	_ =	shalt  }
0x5b: {  	_ =	shalt  }
0x5c: {  	_ =	shalt  }
0x5d: {  	_ =	shalt  }
0x5e: {  	_ =	shalt  }
0x5f: {  	_ =	shalt  }
0x60: {  	_ =	shalt  }
0x61: {  	_ =	shalt  }
0x62: {  	_ =	shalt  }
0x63: {  	_ =	shalt  }
0x64: {  	_ =	shalt  }
0x65: {  	_ =	shalt  }
0x66: {  	_ =	shalt  }
0x67: {  	_ =	shalt  }
0x68: {  	_ =	shalt  }
0x69: {  	_ =	shalt  }
0x6a: {  	_ =	shalt  }
0x6b: {  	_ =	shalt  }
0x6c: {  	_ =	shalt  }
0x6d: {  	_ =	shalt  }
0x6e: {  	_ =	shalt  }
0x6f: {  	_ =	shalt  }
0x70: {  	_ =	shalt  }
0x71: {  	_ =	shalt  }
0x72: {  	_ =	shalt  }
0x73: {  	_ =	shalt  }
0x74: {  	_ =	shalt  }
0x75: {  	_ =	shalt  }
0x76: {  	_ =	shalt  }
0x77: {  	_ =	shalt  }
0x78: {  	_ =	shalt  }
0x79: {  	_ =	shalt  }
0x7a: {  	_ =	shalt  }
0x7b: {  	_ =	shalt  }
0x7c: {  	_ =	shalt  }
0x7d: {  	_ =	shalt  }
0x7e: {  	_ =	shalt  }
0x7f: {  	_ =	shalt  }
0x80: {  	_ =	shalt  }
0x81: {  	_ =	shalt  }
0x82: {  	_ =	shalt  }
0x83: {  	_ =	shalt  }
0x84: {  	_ =	shalt  }
0x85: {  	_ =	shalt  }
0x86: {  	_ =	shalt  }
0x87: {  	_ =	shalt  }
.Lfunc_end0:
.L_simem_size_0:
called_computation.2_lowered:
.L_overlay_start_0:
0x88: {  	s2 =	sld [smem:$0x3FD9]  }
0x89: {  	s3 =	sld [smem:$0x3FFE];
	_ =	sdelay $0x1  }
0x8a: {  	s1 =	srdreg.scid  }
0x8b: {  	s0 =	sand.u32 $0x1, s1  }
0x8c: {  	s16 =	sshll.u32 s0, $0xA;
	s2 =	sadd.s32 s3, s2  }
0x8d: {  	s2 =	sadd.s32 s2, s16  }
0x8e: {  	[smem:$0x3FBE] =	sst s2  }
0x8f: {  	_ = 	snop  }
0x90: {  	(tm) =	ssettm $0x1  }
0x91: {  	s17 =	sld [smem:$0x3FFB];
	_ =	sdelay $0x3  }
0x92: {  	_ =	strace s17  }
0x93: {  	s2 =	sld [smem:$0x3FFC];
	_ =	sdelay $0x3  }
0x94: {  	_ =	strace s2  }
0x95: {  	s2 =	sld [smem:$0x3FFD];
	_ =	sdelay $0x3  }
0x96: {  	_ =	strace s2  }
0x97: {  	_ =	strace $0x8FFFFFFF  }
0x98: {  	s18 =	sld [smem:$0x3FDB];
	_ =	sdelay $0x1  }
0x99: {  	s19 =	simm.s32 $_scs_section_size  }
0x9a: {  	s4 =	simm.s32 $_size__tile_overlayer_lowered;
	s5 =	simm.s32 $_tile_overlayer_lowered  }
0x9b: {  	s22 =	simm.s32 $0x1BFF;
	s21 =	sshll.u32 s5, $0x1;
	s2 =	sadd.s32 s19, s18  }
0x9c: {  	s6 =	simm.s32 $0x0;
	s20 =	sshll.u32 s4, $0x1;
	s4 =	sadd.s32 s21, s2  }
0x9d: {  	[timem:s6], [sflag:s22] =	dma.local [hbm:s4], s20  }
0x9e: {  	_ =	swait.ge [sflag:s22], s20  }
0x9f: {  	s3 =	ssub.s32 $0x0, s20;
	[sflag:s22] =	ssyncset.done $0x0  }
0xa0: {  	[sflag:s22] =	ssyncadd.s32 s3;
	_ =	sdelay $0x1  }
0xa1: {  	s23 =	simm.s32 $0x1B8B  }
0xa2: {  	_ =	swait.ge [sflag:s23], $0x1  }
0xa3: {  	[sflag:s23] =	ssyncset.done $0x0  }
0xa4: {  	s25 =	simm.s32 $0x1B8E;
	s24 =	sld [smem:$0x3FFE];
	[sflag:s23] =	ssyncadd.s32 $0xFFFFFFFF  }
0xa5: {  	s26 =	simm.s32 $execute0_lowered;
	[smem:$0x3FD2] =	sst s25  }
0xa6: {  	s4 =	sshll.u32 s26, $0x1;
	_ =	strace $0x8000004C;
	[dreg:$0x1] =	wrdreg $0xFFFFFFFF  }
0xa7: {  	s28 =	simm.s32 $_size_execute0_lowered;
	s2 =	sadd.s32 s2, s4;
	[dreg:$0x0] =	wrdreg $0x0  }
0xa8: {  	s4 =	sshll.u32 s28, $0x1;
	[dreg:$0x2] =	wrdreg s2  }
0xa9: {  	[dreg:$0x3] =	wrdreg s4  }
0xaa: {  	[dreg:$0x4] =	wrdreg $0xC0  }
0xab: {  	_ =	task [dreg:s6], $0x5FFFF  }
0xac: {  	[dreg:$0x1] =	wrdreg $0xFFFFFFFF  }
0xad: {  	[dreg:$0x0] =	wrdreg $0x60  }
0xae: {  	[dreg:$0x2] =	wrdreg s24  }
0xaf: {  	[dreg:$0x3] =	wrdreg $0x82000  }
0xb0: {  	[dreg:$0x4] =	wrdreg $0x9  }
0xb1: {  	_ =	task.clear_ibuf [dreg:s6], $0x5FFFF;
	_ =	strace $0x9000004C  }
0xb2: {  	s29 =	simm.s32 $0x9;
	_ =	strace $0x8000004E  }
0xb3: {  	_ =	swait.ge [sflag:s29], $0x1  }
0xb4: {  	[sflag:s29] =	ssyncadd.s32 $0xFFFFFFFF  }
0xb5: {  	_ =	strace $0x9000004E  }
0xb6: {  	_ =	sfence  }
0xb7: {  	s30 =	sld [smem:$0x0];
	_ =	sdelay $0x2  }
0xb8: {  	s31 =	sshll.u32 s1, $0xD;
	s1 =	sshrl.u32 s1, $0x2  }
0xb9: {  	s3 =	sand.u32 $0x4000, s31;
	s1 =	sadd.s32 s1, s30  }
0xba: {  	s0 =	sor.u32 s3, s0;
	s1 =	sshll.u32 s1, $0x11  }
0xbb: {  	s0 =	sor.u32 s1, s0  }
0xbc: {  	s0 =	sadd.s32 $0x8F2B, s0  }
0xbd: {  	[sflag:s0] =	ssyncadd.remote.s32 $0x1  }
0xbe: {  	_ =	sfence.sel $0xFFFF  }
0xbf: {  	[dreg:$0x0] =	wrdreg $0xFFFFFFFF;
	(pc) =	sbr.abs _section_cstart, $3  }
0xc0: {  	[dreg:$0x1] =	wrdreg $0xFFFFFFFF  }
0xc1: {  	_ =	task.clear_ibuf [dreg:s6], $0x2FFFF;
	_ =	strace $0x9FFFFFFF  }
0xc2: {  	(tm) =	ssettm $0x7FFFFFFF  }
0xc3: {  	_ =	shalt  }
tec
execute0_lowered:
.L_overlay_start_1:
0x0: {  	(tag) =	ssettag $0x1  }
0x1: {  	s9 =	rddreg [dreg:$0x0]  }
0x2: {  	s2 =	rddreg [dreg:$0x1]  }
0x3: {  	s0 =	rddreg [dreg:$0x2];
	s3 =	simm.s32 $0x0;
	s4 =	srdreg.scid  }
0x4: {  	s1 =	stileid.u32;
	s15 =	simm.s32 $0x80;
	s16 =	simm.s32 $0x200  }
0x5: {  	s17 =	simm.s32 $0x100;
	s18 =	simm.s32 $0x1;
	s19 =	simm.s32 $0x4200  }
0x6: {  	s21 =	simm.s32 $0x2;
	s22 =	simm.s32 $0x0;
	[smem:$0x7FF] =	sst s3  }
0x7: {  	s7 =	sand.u32 $0x1, s4;
	s8 =	smul.u32 $0x278, s1;
	s4 =	sadd.s32 $0x71A00, s9  }
0x8: {  	s5 =	sadd.s32 $0x67A00, s9;
	s6 =	sadd.s32 $0x5DA00, s9;
	s11 =	smul.u32 $0x4F000, s1  }
0x9: {  	s30 =	sshll.u32 s1, $0x6;
	s20 =	smul.u32 $0x2780, s7;
	s10 =	ssub.s32 $0x2, s7  }
0xa: {  	_ =	strace $0x8000004D;
	s7 =	smul.u32 $0x5000, s1;
	s13 =	sshrl.u32 s10, $0x1  }
0xb: {  	s29 =	sshrl.u32 s11, $0x2;
	s8 =	sadd.s32 s8, s20;
	s13 =	ssub.s32 s10, s13  }
0xc: {  	s31 =	sshrl.u32 s7, $0x3;
	s14 =	sadd.s32 s29, s2;
	s12 =	sshll.u32 s8, $0x4  }
0xd: {  	v0 =	vmov s20;
	s20 =	simm.s32 $0x180;
	s8 =	sadd.s32 $0xC200, s9;
	s12 =	sadd.s32 s12, s9  }
0xe: {  	s10 =	sadd.s32 s5, s31;
	s9 =	sor.u32 $0x1C03, s30;
	s11 =	sadd.s32 $0xEA00, s12  }
0xf: {  	s12 =	smax.u32 s13, $0x1;
	s13 =	sshrl.u32 s14, $0x3;
	s14 =	simm.s32 $0x3  }
.LBB2_1:
0x10: {  	[spmem:s13], [sflag:s9] =	dma.local [hbm:s8], $0x2780  }
0x11: {  	_ =	swait.ge [sflag:s14], $0x2780  }
0x12: {  	[sflag:s14] =	ssyncset.done $0x0  }
0x13: {  	[sflag:s14] =	ssyncadd.s32 $0xFFFFD880  }
0x14: {  	[bflag:$0x0] =	sbarrier.arrive $0xFFFF  }
0x15: {  	[tilespmem:s3], [sflag:$0x3] =	stream.linear.gather [hbm4b:s10+s3], $0x80, $0x38;
	[tilespmem:$0x1BE00] =	vst v63  }
0x16: {  	_ =	swait.ge [sflag:s14], $0x80  }
0x17: {  	[sflag:s14] =	ssyncset.done $0x0  }
0x18: {  	[sflag:s14] =	ssyncadd.s32 $0xFFFFFF80  }
0x19: {  	v1 =	vld [tilespmem:$0x0]  }
0x1a: {  	v2 =	vld [tilespmem:$0x10]  }
0x1b: {  	v3 =	vld [tilespmem:$0x20]  }
0x1c: {  	v4 =	vld [tilespmem:$0x30]  }
0x1d: {  	v5 =	vld [tilespmem:$0x40]  }
0x1e: {  	v6 =	vld [tilespmem:$0x50];
	v1 =	vadd.s32 v0, v1  }
0x1f: {  	[tilespmem:$0x0] =	vst v1;
	v1 =	vadd.s32 v0, v2;
	v2 =	vld [tilespmem:$0x60]  }
0x20: {  	[tilespmem:$0x10] =	vst v1;
	v1 =	vadd.s32 v0, v3;
	v3 =	vld [tilespmem:$0x70]  }
0x21: {  	[tilespmem:$0x20] =	vst v1;
	v1 =	vadd.s32 v0, v4  }
0x22: {  	s23 =	simm.s32 $0x0;
	[tilespmem:$0x30] =	vst v1;
	v1 =	vadd.s32 v0, v5  }
0x23: {  	s24 =	sand.u32 $0x7C00, s23;
	[tilespmem:$0x40] =	vst v1;
	v1 =	vadd.s32 v0, v6  }
0x24: {  	s23 =	sand.u32 $0x300, s23;
	s24 =	sadd.s32 s7, s24;
	[tilespmem:$0x50] =	vst v1;
	v1 =	vadd.s32 v0, v2  }
0x25: {  	s23 =	sor.u32 s23, s24;
	[tilespmem:$0x60] =	vst v1;
	v1 =	vadd.s32 v0, v3  }
0x26: {  	s23 =	sshrl.u32 s23, $0x3;
	[tilespmem:$0x70] =	vst v1  }
0x27: {  	[tilespmem:s16], [sflag:$0x1] =	stream.indirect.gather [hbm4b:s4+s15], $0x80, s3, s15, $0xb8;
	[tilespmem:$0x1BE00] =	vst v63  }
0x28: {  	s29 =	sadd.s32 s6, s23  }
0x29: {  	[tilespmem:s17], [sflag:$0x3] =	stream.linear.gather [hbm4b:s29+s3], $0x80, $0x38;
	[tilespmem:$0x1BE00] =	vst v63  }
0x2a: {  	_ =	swait.ge [sflag:s14], $0x80  }
0x2b: {  	s23 =	sor.u32 $0x10, s23;
	[sflag:s14] =	ssyncset.done $0x0  }
0x2c: {  	s30 =	sadd.s32 s5, s23;
	[sflag:s14] =	ssyncadd.s32 $0xFFFFFF80  }
0x2d: {  	[tilespmem:s15], [sflag:$0x3] =	stream.linear.gather [hbm4b:s30+s3], $0x80, $0x38;
	[tilespmem:$0x1BE00] =	vst v63  }
0x2e: {  	_ =	swait.ge [sflag:s14], $0x80  }
0x2f: {  	[sflag:s14] =	ssyncset.done $0x0  }
0x30: {  	[sflag:s14] =	ssyncadd.s32 $0xFFFFFF80  }
0x31: {  	v1 =	vld [tilespmem:$0xB0]  }
0x32: {  	v2 =	vld [tilespmem:$0x90]  }
0x33: {  	v3 =	vld [tilespmem:$0xE0]  }
0x34: {  	v5 =	vld [tilespmem:$0xD0]  }
0x35: {  	v4 =	vld [tilespmem:$0xF0]  }
0x36: {  	v7 =	vld [tilespmem:$0xA0];
	v1 =	vadd.s32 v0, v1  }
0x37: {  	v62 =	vld [tilespmem:$0xC0];
	v2 =	vadd.s32 v0, v2;
	[tilespmem:$0xB0] =	vst v1  }
0x38: {  	v1 =	vld [tilespmem:$0x80];
	[tilespmem:$0x90] =	vst v2;
	v2 =	vadd.s32 v0, v3  }
0x39: {  	v3 =	vadd.s32 v0, v5;
	[tilespmem:$0xE0] =	vst v2  }
0x3a: {  	v2 =	vadd.s32 v0, v4;
	[tilespmem:$0xD0] =	vst v3  }
0x3b: {  	v3 =	vadd.s32 v0, v7;
	[tilespmem:$0xF0] =	vst v2  }
0x3c: {  	v2 =	vadd.s32 v0, v62;
	[tilespmem:$0xA0] =	vst v3  }
0x3d: {  	[tilespmem:$0xC0] =	vst v2;
	v1 =	vadd.s32 v0, v1  }
0x3e: {  	s31 =	sand.u32 $0xFC00, s17;
	[tilespmem:$0x80] =	vst v1  }
0x3f: {  	s25 =	sand.u32 $0x300, s17;
	s24 =	sadd.s32 s7, s31;
	_ =	swait.ge [sflag:s18], $0x4000  }
0x40: {  	s24 =	sor.u32 s25, s24;
	[sflag:s18] =	ssyncset.done $0x0  }
0x41: {  	s24 =	sshrl.u32 s24, $0x3;
	[sflag:s18] =	ssyncadd.s32 $0xFFFFC000  }
0x42: {  	[tilespmem:s19], [sflag:$0x2] =	stream.indirect.gather [hbm4b:s4+s15], $0x80, s15, s15, $0xb8;
	[tilespmem:$0x1BE00] =	vst v63  }
0x43: {  	s24 =	sadd.s32 s5, s24  }
0x44: {  	[tilespmem:s3], [sflag:$0x3] =	stream.linear.gather [hbm4b:s24+s3], $0x80, $0x38;
	[tilespmem:$0x1BE00] =	vst v63  }
0x45: {  	_ =	swait.ge [sflag:s14], $0x80  }
0x46: {  	[sflag:s14] =	ssyncset.done $0x0  }
0x47: {  	[sflag:s14] =	ssyncadd.s32 $0xFFFFFF80  }
0x48: {  	v1 =	vld [tilespmem:$0x0]  }
0x49: {  	v2 =	vld [tilespmem:$0x30]  }
0x4a: {  	v3 =	vld [tilespmem:$0x20]  }
0x4b: {  	v4 =	vld [tilespmem:$0x40];
	_ =	sdelay $0x2  }
0x4c: {  	v5 =	vld [tilespmem:$0x50];
	v1 =	vadd.s32 v0, v1  }
0x4d: {  	v63 =	vld [tilespmem:$0x60];
	[tilespmem:$0x0] =	vst v1;
	v1 =	vadd.s32 v0, v2;
	v2 =	vadd.s32 v0, v3  }
0x4e: {  	[tilespmem:$0x20] =	vst v2;
	v2 =	vadd.s32 v0, v4  }
0x4f: {  	[tilespmem:$0x40] =	vst v2;
	v2 =	vld [tilespmem:$0x10]  }
0x50: {  	[tilespmem:$0x30] =	vst v1;
	v1 =	vld [tilespmem:$0x70]  }
0x51: {  	v3 =	vadd.s32 v0, v5  }
0x52: {  	s24 =	simm.s32 $0x200;
	[tilespmem:$0x50] =	vst v3;
	v3 =	vadd.s32 v0, v63  }
.LBB2_2:
0x53: {  	p0 =	sne.s32 s24, $0x4F00;
	s25 =	smov.u32 s24;
	s24 =	sadd.s32 $0x100, s24  }
0x54: {  	v2 =	vadd.s32 v0, v2;
	[tilespmem:$0x60] =	vst v3  }
0x55: {  	v1 =	vadd.s32 v0, v1;
	[tilespmem:$0x10] =	vst v2;
	_ =	sdelay $0x1  }
0x56: {  	[tilespmem:$0x70] =	vst v1  }
0x57: {  	[spmem:s2] =	stream.indirect.scatter.add.f32 [tilespmem:s16], [sflag:$0x3], $0x80, s17, s15, $0xb8;
	[tilespmem:$0x1BE00] =	vst v63  }
0x58: {  	_ =	swait.ge [sflag:s14], $0x4000  }
0x59: {  	[sflag:s14] =	ssyncset.done $0x0  }
0x5a: {  	s23 =	sadd.s32 s6, s23;
	[sflag:s14] =	ssyncadd.s32 $0xFFFFC000  }
0x5b: {  	[tilespmem:s16], [sflag:$0x1] =	stream.indirect.gather [hbm4b:s4+s15], $0x80, s3, s15, $0xb8;
	[tilespmem:$0x1BE00] =	vst v63  }
0x5c: {  	s26 =	sadd.s32 $0xFFFFFF00, s25  }
0x5d: {  	[tilespmem:s20], [sflag:$0x3] =	stream.linear.gather [hbm4b:s23+s3], $0x80, $0x38;
	[tilespmem:$0x1BE00] =	vst v63  }
0x5e: {  	s23 =	sand.u32 $0x7C00, s26;
	_ =	swait.ge [sflag:s14], $0x80  }
0x5f: {  	s26 =	sand.u32 $0x300, s26;
	s23 =	sadd.s32 s7, s23;
	[sflag:s14] =	ssyncset.done $0x0  }
0x60: {  	s23 =	sor.u32 s26, s23;
	[sflag:s14] =	ssyncadd.s32 $0xFFFFFF80  }
0x61: {  	s23 =	sshrl.u32 s23, $0x3;
	_ =	swait.ge [sflag:s21], $0x4000  }
0x62: {  	[sflag:s21] =	ssyncset.done $0x0  }
0x63: {  	[sflag:s21] =	ssyncadd.s32 $0xFFFFC000  }
0x64: {  	[spmem:s2] =	stream.indirect.scatter.add.f32 [tilespmem:s19], [sflag:$0x3], $0x80, s20, s15, $0xb8;
	[tilespmem:$0x1BE00] =	vst v63  }
0x65: {  	s26 =	sadd.s32 s6, s23;
	_ =	swait.ge [sflag:s14], $0x4000  }
0x66: {  	[sflag:s14] =	ssyncset.done $0x0  }
0x67: {  	s23 =	sor.u32 $0x10, s23;
	[sflag:s14] =	ssyncadd.s32 $0xFFFFC000  }
0x68: {  	[tilespmem:s17], [sflag:$0x3] =	stream.linear.gather [hbm4b:s26+s3], $0x80, $0x38;
	[tilespmem:$0x1BE00] =	vst v63  }
0x69: {  	s26 =	sadd.s32 s5, s23;
	_ =	swait.ge [sflag:s14], $0x80  }
0x6a: {  	[sflag:s14] =	ssyncset.done $0x0  }
0x6b: {  	[sflag:s14] =	ssyncadd.s32 $0xFFFFFF80  }
0x6c: {  	[tilespmem:s15], [sflag:$0x3] =	stream.linear.gather [hbm4b:s26+s3], $0x80, $0x38;
	[tilespmem:$0x1BE00] =	vst v63  }
0x6d: {  	_ =	swait.ge [sflag:s14], $0x80  }
0x6e: {  	[sflag:s14] =	ssyncset.done $0x0  }
0x6f: {  	[sflag:s14] =	ssyncadd.s32 $0xFFFFFF80  }
0x70: {  	v1 =	vld [tilespmem:$0xB0]  }
0x71: {  	v2 =	vld [tilespmem:$0x90]  }
0x72: {  	v3 =	vld [tilespmem:$0xE0]  }
0x73: {  	v4 =	vld [tilespmem:$0xF0]  }
0x74: {  	v5 =	vld [tilespmem:$0xD0]  }
0x75: {  	v1 =	vadd.s32 v0, v1;
	v6 =	vld [tilespmem:$0xC0]  }
0x76: {  	v2 =	vadd.s32 v0, v2;
	v7 =	vld [tilespmem:$0xA0];
	[tilespmem:$0xB0] =	vst v1  }
0x77: {  	v1 =	vld [tilespmem:$0x80];
	[tilespmem:$0x90] =	vst v2;
	v2 =	vadd.s32 v0, v3  }
0x78: {  	[tilespmem:$0xE0] =	vst v2;
	v2 =	vadd.s32 v0, v4  }
0x79: {  	v3 =	vadd.s32 v0, v5;
	[tilespmem:$0xF0] =	vst v2  }
0x7a: {  	v2 =	vadd.s32 v0, v6;
	[tilespmem:$0xD0] =	vst v3  }
0x7b: {  	v3 =	vadd.s32 v0, v7;
	[tilespmem:$0xC0] =	vst v2  }
0x7c: {  	v1 =	vadd.s32 v0, v1;
	[tilespmem:$0xA0] =	vst v3  }
0x7d: {  	s26 =	sand.u32 $0xFC00, s25;
	[tilespmem:$0x80] =	vst v1  }
0x7e: {  	s25 =	sand.u32 $0x300, s25;
	s26 =	sadd.s32 s7, s26;
	_ =	swait.ge [sflag:s18], $0x4000  }
0x7f: {  	s25 =	sor.u32 s25, s26;
	[sflag:s18] =	ssyncset.done $0x0  }
0x80: {  	s25 =	sshrl.u32 s25, $0x3;
	[sflag:s18] =	ssyncadd.s32 $0xFFFFC000  }
0x81: {  	[tilespmem:s19], [sflag:$0x2] =	stream.indirect.gather [hbm4b:s4+s15], $0x80, s15, s15, $0xb8;
	[tilespmem:$0x1BE00] =	vst v63  }
0x82: {  	s25 =	sadd.s32 s5, s25  }
0x83: {  	[tilespmem:s3], [sflag:$0x3] =	stream.linear.gather [hbm4b:s25+s3], $0x80, $0x38;
	[tilespmem:$0x1BE00] =	vst v63  }
0x84: {  	_ =	swait.ge [sflag:s14], $0x80  }
0x85: {  	[sflag:s14] =	ssyncset.done $0x0  }
0x86: {  	[sflag:s14] =	ssyncadd.s32 $0xFFFFFF80  }
0x87: {  	v1 =	vld [tilespmem:$0x0]  }
0x88: {  	v2 =	vld [tilespmem:$0x30]  }
0x89: {  	v3 =	vld [tilespmem:$0x20]  }
0x8a: {  	v4 =	vld [tilespmem:$0x40]  }
0x8b: {  	v5 =	vld [tilespmem:$0x50]  }
0x8c: {  	v1 =	vadd.s32 v0, v1;
	v6 =	vld [tilespmem:$0x60]  }
.Ltmp0:
0x8d: {  	[tilespmem:$0x0] =	vst v1;
	v7 =	vadd.s32 v0, v2;
	v1 =	vld [tilespmem:$0x70];
	(pc) =	sbr.rel @p0 .LBB2_2-.Ltmp0, $4  }
0x8e: {  	v2 =	vld [tilespmem:$0x10];
	v3 =	vadd.s32 v0, v3;
	[tilespmem:$0x30] =	vst v7  }
0x8f: {  	[tilespmem:$0x20] =	vst v3;
	v3 =	vadd.s32 v0, v4  }
0x90: {  	[tilespmem:$0x40] =	vst v3;
	v3 =	vadd.s32 v0, v5  }
0x91: {  	[tilespmem:$0x50] =	vst v3;
	v3 =	vadd.s32 v0, v6  }
0x92: {  	[tilespmem:$0x60] =	vst v3;
	v1 =	vadd.s32 v0, v1  }
0x93: {  	v2 =	vadd.s32 v0, v2;
	[tilespmem:$0x70] =	vst v1  }
0x94: {  	[tilespmem:$0x10] =	vst v2  }
0x95: {  	[spmem:s2] =	stream.indirect.scatter.add.f32 [tilespmem:s16], [sflag:$0x3], $0x80, s17, s15, $0xb8;
	[tilespmem:$0x1BE00] =	vst v63  }
0x96: {  	_ =	swait.ge [sflag:s14], $0x4000  }
0x97: {  	[sflag:s14] =	ssyncset.done $0x0  }
0x98: {  	[sflag:s14] =	ssyncadd.s32 $0xFFFFC000  }
0x99: {  	[tilespmem:s16], [sflag:$0x1] =	stream.indirect.gather [hbm4b:s4+s15], $0x80, s3, s15, $0xb8;
	[tilespmem:$0x1BE00] =	vst v63  }
0x9a: {  	s23 =	sadd.s32 s6, s23  }
0x9b: {  	[tilespmem:s20], [sflag:$0x3] =	stream.linear.gather [hbm4b:s23+s3], $0x80, $0x38;
	[tilespmem:$0x1BE00] =	vst v63  }
0x9c: {  	_ =	swait.ge [sflag:s14], $0x80  }
0x9d: {  	[sflag:s14] =	ssyncset.done $0x0  }
0x9e: {  	[sflag:s14] =	ssyncadd.s32 $0xFFFFFF80  }
0x9f: {  	_ =	swait.ge [sflag:s21], $0x4000  }
0xa0: {  	[sflag:s21] =	ssyncset.done $0x0  }
0xa1: {  	[sflag:s21] =	ssyncadd.s32 $0xFFFFC000  }
0xa2: {  	[spmem:s2] =	stream.indirect.scatter.add.f32 [tilespmem:s19], [sflag:$0x3], $0x80, s20, s15, $0xb8;
	[tilespmem:$0x1BE00] =	vst v63  }
0xa3: {  	_ =	swait.ge [sflag:s14], $0x4000  }
0xa4: {  	[sflag:s14] =	ssyncset.done $0x0  }
0xa5: {  	[sflag:s14] =	ssyncadd.s32 $0xFFFFC000  }
0xa6: {  	_ =	swait.ge [sflag:s18], $0x4000  }
0xa7: {  	s22 =	sadd.s32 $0x1, s22;
	[sflag:s18] =	ssyncset.done $0x0  }
0xa8: {  	p0 =	sne.s32 s22, s12;
	[sflag:s18] =	ssyncadd.s32 $0xFFFFC000  }
.Ltmp1:
0xa9: {  	[bflag:$0x0] =	sbarrier.arrive $0xFFFF;
	(pc) =	sbr.rel @p0 .LBB2_1-.Ltmp1, $4  }
0xaa: {  	[hbm:s11], [sflag:s9] =	dma.local [spmem:s13], $0x2780  }
0xab: {  	_ =	swait.ge [sflag:s14], $0x2780  }
0xac: {  	[sflag:s14] =	ssyncset.done $0x0  }
0xad: {  	[sflag:s14] =	ssyncadd.s32 $0xFFFFD880  }
0xae: {  	_ =	sfence.sel $0x180000  }
0xaf: {  	[bflag:$0x0] =	sbarrier.arrive $0xFFFF  }
0xb0: {  	p0 =	sne.s32 s1, $0x0;
	_ =	strace $0x9000004D  }
0xb1: {  	s0 =	sadd.s32 @!p0 $0x100000, s0;
	[bflag:$0x2] =	sbarrier.arrive $0xFFFF  }
0xb2: {  	[sflag:s0] =	ssyncadd.tile.s32 @!p0 $0x1;
	_ =	shalt  }
.Lfunc_end2:
_tile_overlayer_lowered:
.L_overlay_start_2:
0xb3: {  	(tag) =	ssettag $0x2  }
0xb4: {  	s0 =	rddreg [dreg:$0x0];
	s2 =	stileid.u32  }
0xb5: {  	s1 =	rddreg [dreg:$0x1];
	p0 =	sne.s32 s2, $0x0  }
0xb6: {  	s3 =	rddreg [dreg:$0x2];
	[bflag:$0x3] =	sbarrier.arrive $0xFFFF;
	s2 =	simm.s32 @!p0 $0x1C03  }
0xb7: {  	[timem:s3], [sflag:s2] =	dma.local @!p0 [hbm:s0], s1  }
0xb8: {  	s0 =	simm.s32 @!p0 $0x3  }
0xb9: {  	_ =	swait.ge @!p0 [sflag:s0], s1  }
0xba: {  	s1 =	ssub.s32 @!p0 $0x0, s1;
	[sflag:s0] =	ssyncset.done @!p0 $0x0  }
0xbb: {  	[sflag:s0] =	ssyncadd.s32 @!p0 s1  }
0xbc: {  	[bflag:$0x3] =	sbarrier.arrive $0xFFFF  }
0xbd: {  	_ =	shalt  }

// kernel: kernel.8.cloned.1.call-start
scs
__scs_entry_jumppad:
0x0: {  	(pc) =	sbr.rel $0x88, $3  }
0x1: {  	(tag) =	ssettag $0x0;
	lr =	simm.s32 $0x1  }
0x2: {  	[smem:$0x3F97] =	sst lr;
	_ =	strace $0xD0000000  }
0x3: {  	_ = 	snop  }
0x4: {  	_ = 	snop  }
0x5: {  	_ = 	snop  }
0x6: {  	_ = 	snop  }
0x7: {  	_ = 	snop  }
__scs_overlays_trampoline_lowered:
0x8: {  	[smem:$0x3FA6] =	sst s0  }
0x9: {  	[smem:$0x3FA7] =	sst s1  }
0xa: {  	[smem:$0x3FA8] =	sst s2  }
0xb: {  	[smem:$0x3FA9] =	sst s3  }
0xc: {  	[smem:$0x3FAA] =	sst s4  }
0xd: {  	[smem:$0x3FAB] =	sst s5  }
0xe: {  	[smem:$0x3FAC] =	sst s6  }
0xf: {  	[smem:$0x3FAD] =	sst s7  }
0x10: {  	[smem:$0x3FAE] =	sst s8  }
0x11: {  	[smem:$0x3FAF] =	sst s9;
	s0 =	simm.s32 @!p0 $0x0  }
0x12: {  	s1 =	sld [smem:$0x3F95];
	s0 =	simm.s32 @p0 $0x1  }
0x13: {  	[smem:$0x3FB0] =	sst s0;
	s0 =	simm.s32 @!p1 $0x0  }
0x14: {  	s2 =	sld [smem:$0x3F94];
	s0 =	simm.s32 @p1 $0x1  }
0x15: {  	[smem:$0x3FB1] =	sst s0;
	s0 =	simm.s32 @!p2 $0x0  }
0x16: {  	s3 =	sld [smem:$0x3FDB];
	s0 =	simm.s32 @p2 $0x1  }
0x17: {  	s4 =	simm.s32 $0x1BF5;
	[smem:$0x3FB3] =	sst s0  }
0x18: {  	s0 =	sld [smem:$0x3F96];
	_ =	swait.ge [sflag:s4], $0x0  }
0x19: {  	s7 =	sld [smem:$0x3F97]  }
0x1a: {  	s8 =	sadd.s32 $0xFFFFE003, lr  }
0x1b: {  	s9 =	sadd.s32 $0xFFFFFEF7, lr;
	s5 =	simm.s32 $0xFFFFFFFF;
	p2 =	slt.u32 s8, $0xFFFFF086  }
0x1c: {  	p1 =	slt.u32 s9, $0xF7A;
	s5 =	simm.s32 @!p2 $0x0  }
0x1d: {  	s5 =	simm.s32 @p1 $0x1;
	p0 =	seq.s32 s7, s2  }
0x1e: {  	s7 =	smul.u32 @!p0 $0xF7A, s2;
	p2 =	seq.s32 @!p0 s5, $0x0  }
0x1f: {  	s9 =	smul.u32 $0xF7A, s1;
	s8 =	simm.s32 @!p0 $0x1BF5;
	p2 =	por !p2, p0  }
0x20: {  	[sflag:s8] =	ssyncset.s32 @!p0 $0xFFFFF086;
	s6 =	sadd.s32 @!p0 s3, s7;
	s7 =	simm.s32 @!p0 $0x108  }
0x21: {  	s3 =	sadd.s32 s3, s9;
	s6 =	sadd.s32 @!p0 $0x88, s6;
	s7 =	simm.s32 @p2 $0x1082  }
0x22: {  	[simem:s7], [sflag:s8] =	dma.local @!p0 [hbm:s6], $0xF7A  }
0x23: {  	s9 =	sor.u32 $0xD0000000, s2;
	s6 =	simm.s32 $0x108;
	_ =	swait.ge @!p0 [sflag:s8], $0x0  }
0x24: {  	s3 =	sadd.s32 $0x88, s3;
	s6 =	simm.s32 @!p1 $0x1082;
	[sflag:s4] =	ssyncset.s32 $0xFFFFF086  }
0x25: {  	[simem:s6], [sflag:s4] =	dma.local [hbm:s3], $0xF7A  }
0x26: {  	[smem:$0x3F97] =	sst s1;
	(tag) =	ssettag s2;
	_ =	strace s9  }
0x27: {  	s1 =	sld [smem:$0x3FA7]  }
0x28: {  	s2 =	sld [smem:$0x3FA8]  }
0x29: {  	s4 =	sld [smem:$0x3FAA]  }
0x2a: {  	p0 =	seq.s32 s5, $0x0;
	s5 =	sld [smem:$0x3FAB]  }
0x2b: {  	s6 =	sld [smem:$0x3FAC]  }
0x2c: {  	s7 =	sld [smem:$0x3FAD]  }
0x2d: {  	s3 =	simm.s32 $0x108;
	s8 =	sld [smem:$0x3FAE]  }
0x2e: {  	s3 =	simm.s32 @!p0 $0x1082;
	s9 =	sld [smem:$0x3FAF]  }
0x2f: {  	lr =	sadd.s32 s0, s3;
	s0 =	sld [smem:$0x3FA6]  }
0x30: {  	s3 =	sld [smem:$0x3FA9]  }
0x31: {  	[smem:$0x3FB2] =	sst s10  }
0x32: {  	s10 =	sld [smem:$0x3FB0];
	_ =	sdelay $0x3  }
0x33: {  	p0 =	seq.s32 s10, $0x1;
	s10 =	sld [smem:$0x3FB2];
	_ =	sdelay $0x3  }
0x34: {  	[smem:$0x3FB2] =	sst s10  }
0x35: {  	s10 =	sld [smem:$0x3FB1];
	_ =	sdelay $0x3  }
0x36: {  	p1 =	seq.s32 s10, $0x1;
	s10 =	sld [smem:$0x3FB2];
	_ =	sdelay $0x3  }
0x37: {  	[smem:$0x3FB2] =	sst s10  }
0x38: {  	s10 =	sld [smem:$0x3FB3]  }
0x39: {  	_ = 	snop;
	(pc) =	sbr.ind lr, $3  }
0x3a: {  	_ = 	snop  }
0x3b: {  	_ = 	snop  }
0x3c: {  	p2 =	seq.s32 s10, $0x1;
	s10 =	sld [smem:$0x3FB2]  }
0x3d: {  	_ =	shalt  }
0x3e: {  	_ =	shalt  }
0x3f: {  	_ =	shalt  }
0x40: {  	_ =	shalt  }
0x41: {  	_ =	shalt  }
0x42: {  	_ =	shalt  }
0x43: {  	_ =	shalt  }
0x44: {  	_ =	shalt  }
0x45: {  	_ =	shalt  }
0x46: {  	_ =	shalt  }
0x47: {  	_ =	shalt  }
0x48: {  	_ =	shalt  }
0x49: {  	_ =	shalt  }
0x4a: {  	_ =	shalt  }
0x4b: {  	_ =	shalt  }
0x4c: {  	_ =	shalt  }
0x4d: {  	_ =	shalt  }
0x4e: {  	_ =	shalt  }
0x4f: {  	_ =	shalt  }
0x50: {  	_ =	shalt  }
0x51: {  	_ =	shalt  }
0x52: {  	_ =	shalt  }
0x53: {  	_ =	shalt  }
0x54: {  	_ =	shalt  }
0x55: {  	_ =	shalt  }
0x56: {  	_ =	shalt  }
0x57: {  	_ =	shalt  }
0x58: {  	_ =	shalt  }
0x59: {  	_ =	shalt  }
0x5a: {  	_ =	shalt  }
0x5b: {  	_ =	shalt  }
0x5c: {  	_ =	shalt  }
0x5d: {  	_ =	shalt  }
0x5e: {  	_ =	shalt  }
0x5f: {  	_ =	shalt  }
0x60: {  	_ =	shalt  }
0x61: {  	_ =	shalt  }
0x62: {  	_ =	shalt  }
0x63: {  	_ =	shalt  }
0x64: {  	_ =	shalt  }
0x65: {  	_ =	shalt  }
0x66: {  	_ =	shalt  }
0x67: {  	_ =	shalt  }
0x68: {  	_ =	shalt  }
0x69: {  	_ =	shalt  }
0x6a: {  	_ =	shalt  }
0x6b: {  	_ =	shalt  }
0x6c: {  	_ =	shalt  }
0x6d: {  	_ =	shalt  }
0x6e: {  	_ =	shalt  }
0x6f: {  	_ =	shalt  }
0x70: {  	_ =	shalt  }
0x71: {  	_ =	shalt  }
0x72: {  	_ =	shalt  }
0x73: {  	_ =	shalt  }
0x74: {  	_ =	shalt  }
0x75: {  	_ =	shalt  }
0x76: {  	_ =	shalt  }
0x77: {  	_ =	shalt  }
0x78: {  	_ =	shalt  }
0x79: {  	_ =	shalt  }
0x7a: {  	_ =	shalt  }
0x7b: {  	_ =	shalt  }
0x7c: {  	_ =	shalt  }
0x7d: {  	_ =	shalt  }
0x7e: {  	_ =	shalt  }
0x7f: {  	_ =	shalt  }
0x80: {  	_ =	shalt  }
0x81: {  	_ =	shalt  }
0x82: {  	_ =	shalt  }
0x83: {  	_ =	shalt  }
0x84: {  	_ =	shalt  }
0x85: {  	_ =	shalt  }
0x86: {  	_ =	shalt  }
0x87: {  	_ =	shalt  }
.Lfunc_end0:
.L_simem_size_0:
called_computation_lowered:
.L_overlay_start_0:
0x88: {  	s2 =	sld [smem:$0x3FD9]  }
0x89: {  	s3 =	sld [smem:$0x3FFE];
	_ =	sdelay $0x1  }
0x8a: {  	s1 =	srdreg.scid  }
0x8b: {  	s0 =	sand.u32 $0x1, s1  }
0x8c: {  	s17 =	sshll.u32 s0, $0xA;
	s2 =	sadd.s32 s3, s2  }
0x8d: {  	s2 =	sadd.s32 s2, s17  }
0x8e: {  	[smem:$0x3FBE] =	sst s2  }
0x8f: {  	_ = 	snop  }
0x90: {  	s2 =	sld [smem:$0x3FD0];
	(tm) =	ssettm $0x1  }
0x91: {  	s18 =	sld [smem:$0x3FFB];
	_ =	sdelay $0x3  }
0x92: {  	_ =	strace s18  }
0x93: {  	s3 =	sld [smem:$0x3FFC];
	_ =	sdelay $0x3  }
0x94: {  	_ =	strace s3  }
0x95: {  	s3 =	sld [smem:$0x3FFD];
	_ =	sdelay $0x3  }
0x96: {  	_ =	strace s3  }
0x97: {  	_ =	strace $0x8FFFFFFF  }
0x98: {  	s19 =	sld [smem:$0x3FDB];
	_ =	sdelay $0x1  }
0x99: {  	s4 =	simm.s32 $_scs_section_size  }
0x9a: {  	s5 =	simm.s32 $_size__tile_overlayer_lowered;
	s6 =	simm.s32 $_tile_overlayer_lowered  }
0x9b: {  	s22 =	simm.s32 $0x1BFF;
	s21 =	sshll.u32 s6, $0x1;
	s3 =	sadd.s32 s4, s19  }
0x9c: {  	s7 =	simm.s32 $0x0;
	s20 =	sshll.u32 s5, $0x1;
	s5 =	sadd.s32 s21, s3  }
0x9d: {  	[timem:s7], [sflag:s22] =	dma.local [hbm:s5], s20  }
0x9e: {  	_ =	swait.ge [sflag:s22], s20  }
0x9f: {  	s4 =	ssub.s32 $0x0, s20;
	[sflag:s22] =	ssyncset.done $0x0  }
0xa0: {  	[sflag:s22] =	ssyncadd.s32 s4;
	_ =	sdelay $0x1  }
0xa1: {  	s23 =	simm.s32 $0x1B8B  }
0xa2: {  	_ =	swait.ge [sflag:s23], $0x1  }
0xa3: {  	[sflag:s23] =	ssyncset.done $0x0  }
0xa4: {  	s25 =	simm.s32 $0x1B8E;
	s24 =	sld [smem:$0x3FFE];
	[sflag:s23] =	ssyncadd.s32 $0xFFFFFFFF  }
0xa5: {  	s26 =	simm.s32 $execute0_lowered;
	[smem:$0x3FD2] =	sst s25  }
0xa6: {  	s5 =	sshll.u32 s26, $0x1;
	_ =	strace $0x80000046;
	[dreg:$0x1] =	wrdreg $0xFFFFFFFF  }
0xa7: {  	s28 =	simm.s32 $_size_execute0_lowered;
	s3 =	sadd.s32 s3, s5;
	[dreg:$0x0] =	wrdreg $0x0  }
0xa8: {  	s5 =	sshll.u32 s28, $0x1;
	[dreg:$0x2] =	wrdreg s3  }
0xa9: {  	[dreg:$0x3] =	wrdreg s5  }
0xaa: {  	[dreg:$0x4] =	wrdreg $0xC0  }
0xab: {  	_ =	task [dreg:s7], $0x5FFFF  }
0xac: {  	[dreg:$0x1] =	wrdreg $0xFFFFFFFF  }
0xad: {  	[dreg:$0x0] =	wrdreg $0x60  }
0xae: {  	[dreg:$0x2] =	wrdreg s24  }
0xaf: {  	[dreg:$0x3] =	wrdreg s2  }
0xb0: {  	[dreg:$0x4] =	wrdreg $0x42000  }
0xb1: {  	[dreg:$0x5] =	wrdreg $0x9  }
0xb2: {  	_ =	task.clear_ibuf [dreg:s7], $0x6FFFF;
	_ =	strace $0x90000046  }
0xb3: {  	s29 =	simm.s32 $0x9;
	_ =	strace $0x80000048  }
0xb4: {  	_ =	swait.ge [sflag:s29], $0x1  }
0xb5: {  	[sflag:s29] =	ssyncadd.s32 $0xFFFFFFFF  }
0xb6: {  	_ =	strace $0x90000048  }
0xb7: {  	_ =	sfence  }
0xb8: {  	s30 =	sld [smem:$0x0];
	_ =	sdelay $0x2  }
0xb9: {  	s31 =	sshll.u32 s1, $0xD;
	s1 =	sshrl.u32 s1, $0x2  }
0xba: {  	s3 =	sand.u32 $0x4000, s31;
	s1 =	sadd.s32 s1, s30  }
0xbb: {  	s0 =	sor.u32 s3, s0;
	s1 =	sshll.u32 s1, $0x11  }
0xbc: {  	s0 =	sor.u32 s1, s0  }
0xbd: {  	s0 =	sadd.s32 $0x8F2B, s0  }
0xbe: {  	[sflag:s0] =	ssyncadd.remote.s32 $0x1  }
0xbf: {  	_ =	sfence.sel $0xFFFF  }
0xc0: {  	[dreg:$0x0] =	wrdreg $0xFFFFFFFF;
	(pc) =	sbr.abs _section_cstart, $3  }
0xc1: {  	[dreg:$0x1] =	wrdreg $0xFFFFFFFF  }
0xc2: {  	_ =	task.clear_ibuf [dreg:s7], $0x2FFFF;
	_ =	strace $0x9FFFFFFF  }
0xc3: {  	(tm) =	ssettm $0x7FFFFFFF  }
tec
execute0_lowered:
.L_overlay_start_1:
0x0: {  	(tag) =	ssettag $0x1  }
0x1: {  	s7 =	rddreg [dreg:$0x0]  }
0x2: {  	s2 =	rddreg [dreg:$0x1]  }
0x3: {  	s3 =	rddreg [dreg:$0x2]  }
0x4: {  	s0 =	rddreg [dreg:$0x3]  }
0x5: {  	s5 =	srdreg.scid;
	s1 =	stileid.u32;
	s4 =	simm.s32 $0x0  }
0x6: {  	s14 =	simm.s32 $0x80;
	s15 =	simm.s32 $0x100;
	s16 =	simm.s32 $0x180  }
0x7: {  	s17 =	simm.s32 $0x1;
	s18 =	simm.s32 $0x0;
	s9 =	smul.u32 $0x2780, s1  }
0x8: {  	s8 =	sand.u32 $0x1, s5;
	[smem:$0x7FF] =	sst s4;
	s29 =	smul.u32 $0x4F000, s1  }
0x9: {  	s5 =	sadd.s32 $0x2200, s7;
	s6 =	sadd.s32 $0xC200, s7;
	s12 =	smul.u32 $0x2800, s1  }
0xa: {  	s31 =	sshll.u32 s1, $0x6;
	s10 =	smul.u32 $0x27800, s8;
	s30 =	ssub.s32 $0x2, s8  }
0xb: {  	_ =	strace $0x80000047;
	s8 =	smul.u32 $0x28000, s8;
	s11 =	sshrl.u32 s30, $0x1  }
0xc: {  	s9 =	sadd.s32 s9, s10;
	s10 =	sshrl.u32 s29, $0x2;
	s11 =	ssub.s32 s30, s11  }
0xd: {  	s8 =	sadd.s32 s12, s8;
	s12 =	simm.s32 $0x2;
	s9 =	sadd.s32 s9, s7  }
0xe: {  	s13 =	sadd.s32 s10, s3;
	s7 =	sor.u32 $0x1C02, s31;
	s10 =	smax.u32 s11, $0x1  }
0xf: {  	s9 =	sadd.s32 $0xEA00, s9;
	s11 =	sshrl.u32 s13, $0x3;
	s13 =	simm.s32 $0x200  }
.LBB2_1:
0x10: {  	[spmem:s11], [sflag:s7] =	dma.local [hbm:s6], $0x2780  }
0x11: {  	_ =	swait.ge [sflag:s12], $0x2780  }
0x12: {  	[sflag:s12] =	ssyncset.done $0x0  }
0x13: {  	s19 =	sand.u32 $0x3C00, s4;
	[sflag:s12] =	ssyncadd.s32 $0xFFFFD880  }
0x14: {  	[tilespmem:s13], [sflag:$0x2] =	stream.linear.gather [hbm4b:s2+s4], $0x4000, $0x38;
	[tilespmem:$0x17E40] =	vst v63  }
0x15: {  	s20 =	sand.u32 $0x200, s4;
	s19 =	sadd.s32 s19, s8;
	_ =	swait.ge [sflag:s12], $0x4000  }
0x16: {  	s19 =	sor.u32 s20, s19;
	[sflag:s12] =	ssyncset.done $0x0  }
0x17: {  	s19 =	sshrl.u32 s19, $0x3;
	[sflag:s12] =	ssyncadd.s32 $0xFFFFC000  }
0x18: {  	s19 =	sadd.s32 s5, s19;
	[bflag:$0x0] =	sbarrier.arrive $0xFFFF  }
0x19: {  	[tilespmem:s4], [sflag:$0x2] =	stream.linear.gather [hbm4b:s19+s4], $0x80, $0x38;
	[tilespmem:$0x17E40] =	vst v63  }
0x1a: {  	_ =	swait.ge [sflag:s12], $0x80  }
0x1b: {  	[sflag:s12] =	ssyncset.done $0x0  }
0x1c: {  	[sflag:s12] =	ssyncadd.s32 $0xFFFFFF80  }
0x1d: {  	[spmem:s3] =	stream.indirect.scatter.add.f32 [tilespmem:s13], [sflag:$0x1], $0x80, s4, s14, $0xb8;
	[tilespmem:$0x17E40] =	vst v63  }
0x1e: {  	s28 =	sadd.s32 $0x10, s19  }
0x1f: {  	[tilespmem:s14], [sflag:$0x2] =	stream.linear.gather [hbm4b:s28+s4], $0x80, $0x38;
	[tilespmem:$0x17E40] =	vst v63  }
0x20: {  	_ =	swait.ge [sflag:s12], $0x80  }
0x21: {  	[sflag:s12] =	ssyncset.done $0x0  }
0x22: {  	[sflag:s12] =	ssyncadd.s32 $0xFFFFFF80  }
0x23: {  	[spmem:s3] =	stream.indirect.scatter.add.f32 [tilespmem:s13], [sflag:$0x1], $0x80, s14, s14, $0xb8;
	[tilespmem:$0x17E40] =	vst v63  }
0x24: {  	s29 =	sadd.s32 $0x20, s19  }
0x25: {  	[tilespmem:s15], [sflag:$0x2] =	stream.linear.gather [hbm4b:s29+s4], $0x80, $0x38;
	[tilespmem:$0x17E40] =	vst v63  }
0x26: {  	_ =	swait.ge [sflag:s12], $0x80  }
0x27: {  	[sflag:s12] =	ssyncset.done $0x0  }
0x28: {  	[sflag:s12] =	ssyncadd.s32 $0xFFFFFF80  }
0x29: {  	[spmem:s3] =	stream.indirect.scatter.add.f32 [tilespmem:s13], [sflag:$0x1], $0x80, s15, s14, $0xb8;
	[tilespmem:$0x17E40] =	vst v63  }
0x2a: {  	s19 =	sadd.s32 $0x30, s19  }
0x2b: {  	[tilespmem:s16], [sflag:$0x2] =	stream.linear.gather [hbm4b:s19+s4], $0x80, $0x38;
	[tilespmem:$0x17E40] =	vst v63  }
0x2c: {  	_ =	swait.ge [sflag:s12], $0x80  }
0x2d: {  	[sflag:s12] =	ssyncset.done $0x0  }
0x2e: {  	[sflag:s12] =	ssyncadd.s32 $0xFFFFFF80  }
0x2f: {  	[spmem:s3] =	stream.indirect.scatter.add.f32 [tilespmem:s13], [sflag:$0x1], $0x80, s16, s14, $0xb8;
	[tilespmem:$0x17E40] =	vst v63  }
0x30: {  	_ =	swait.ge [sflag:s17], $0x4000  }
0x31: {  	[sflag:s17] =	ssyncset.done $0x0  }
0x32: {  	[sflag:s17] =	ssyncadd.s32 $0xFFFFC000  }
0x33: {  	_ =	swait.ge [sflag:s17], $0x4000  }
0x34: {  	[sflag:s17] =	ssyncset.done $0x0  }
0x35: {  	[sflag:s17] =	ssyncadd.s32 $0xFFFFC000  }
0x36: {  	s30 =	simm.s32 $0x200;
	_ =	swait.ge [sflag:s17], $0x4000  }
0x37: {  	s31 =	sand.u32 $0x3C00, s30;
	[sflag:s17] =	ssyncset.done $0x0  }
0x38: {  	s20 =	sadd.s32 s31, s8;
	s19 =	sand.u32 $0x200, s30;
	[sflag:s17] =	ssyncadd.s32 $0xFFFFC000  }
0x39: {  	s19 =	sor.u32 s19, s20;
	_ =	swait.ge [sflag:s17], $0x4000  }
0x3a: {  	s21 =	simm.s32 $0x400;
	s20 =	sshrl.u32 s19, $0x3;
	[sflag:s17] =	ssyncset.done $0x0  }
.LBB2_2:
0x3b: {  	s22 =	sadd.s32 s5, s20  }
0x3c: {  	[sflag:s17] =	ssyncadd.s32 $0xFFFFC000;
	s20 =	smov.u32 s21;
	s19 =	sadd.s32 $0x200, s21  }
0x3d: {  	[tilespmem:s4], [sflag:$0x2] =	stream.linear.gather [hbm4b:s22+s4], $0x80, $0x38;
	[tilespmem:$0x17E40] =	vst v63  }
0x3e: {  	p0 =	sne.s32 s21, $0x2600;
	_ =	swait.ge [sflag:s12], $0x80  }
0x3f: {  	[sflag:s12] =	ssyncset.done $0x0  }
0x40: {  	[sflag:s12] =	ssyncadd.s32 $0xFFFFFF80  }
0x41: {  	[spmem:s3] =	stream.indirect.scatter.add.f32 [tilespmem:s13], [sflag:$0x1], $0x80, s4, s14, $0xb8;
	[tilespmem:$0x17E40] =	vst v63  }
0x42: {  	s21 =	sadd.s32 $0x10, s22  }
0x43: {  	[tilespmem:s14], [sflag:$0x2] =	stream.linear.gather [hbm4b:s21+s4], $0x80, $0x38;
	[tilespmem:$0x17E40] =	vst v63  }
0x44: {  	_ =	swait.ge [sflag:s12], $0x80  }
0x45: {  	[sflag:s12] =	ssyncset.done $0x0  }
0x46: {  	[sflag:s12] =	ssyncadd.s32 $0xFFFFFF80  }
0x47: {  	[spmem:s3] =	stream.indirect.scatter.add.f32 [tilespmem:s13], [sflag:$0x1], $0x80, s14, s14, $0xb8;
	[tilespmem:$0x17E40] =	vst v63  }
0x48: {  	s21 =	sadd.s32 $0x20, s22  }
0x49: {  	[tilespmem:s15], [sflag:$0x2] =	stream.linear.gather [hbm4b:s21+s4], $0x80, $0x38;
	[tilespmem:$0x17E40] =	vst v63  }
0x4a: {  	_ =	swait.ge [sflag:s12], $0x80  }
0x4b: {  	[sflag:s12] =	ssyncset.done $0x0  }
0x4c: {  	[sflag:s12] =	ssyncadd.s32 $0xFFFFFF80  }
0x4d: {  	[spmem:s3] =	stream.indirect.scatter.add.f32 [tilespmem:s13], [sflag:$0x1], $0x80, s15, s14, $0xb8;
	[tilespmem:$0x17E40] =	vst v63  }
0x4e: {  	s21 =	sadd.s32 $0x30, s22  }
0x4f: {  	[tilespmem:s16], [sflag:$0x2] =	stream.linear.gather [hbm4b:s21+s4], $0x80, $0x38;
	[tilespmem:$0x17E40] =	vst v63  }
0x50: {  	_ =	swait.ge [sflag:s12], $0x80  }
0x51: {  	[sflag:s12] =	ssyncset.done $0x0  }
0x52: {  	[sflag:s12] =	ssyncadd.s32 $0xFFFFFF80  }
0x53: {  	[spmem:s3] =	stream.indirect.scatter.add.f32 [tilespmem:s13], [sflag:$0x1], $0x80, s16, s14, $0xb8;
	[tilespmem:$0x17E40] =	vst v63  }
0x54: {  	_ =	swait.ge [sflag:s17], $0x4000  }
0x55: {  	[sflag:s17] =	ssyncset.done $0x0  }
0x56: {  	[sflag:s17] =	ssyncadd.s32 $0xFFFFC000  }
0x57: {  	_ =	swait.ge [sflag:s17], $0x4000  }
0x58: {  	[sflag:s17] =	ssyncset.done $0x0  }
0x59: {  	[sflag:s17] =	ssyncadd.s32 $0xFFFFC000  }
.Ltmp0:
0x5a: {  	_ =	swait.ge [sflag:s17], $0x4000;
	(pc) =	sbr.rel @p0 .LBB2_2-.Ltmp0, $4  }
0x5b: {  	s21 =	sand.u32 $0x3C00, s20;
	[sflag:s17] =	ssyncset.done $0x0  }
0x5c: {  	s20 =	sand.u32 $0x200, s20;
	s21 =	sadd.s32 s21, s8;
	[sflag:s17] =	ssyncadd.s32 $0xFFFFC000  }
0x5d: {  	s20 =	sor.u32 s20, s21;
	_ =	swait.ge [sflag:s17], $0x4000  }
0x5e: {  	s21 =	smov.u32 s19;
	s20 =	sshrl.u32 s20, $0x3;
	[sflag:s17] =	ssyncset.done $0x0  }
0x5f: {  	s19 =	sadd.s32 s5, s20;
	[sflag:s17] =	ssyncadd.s32 $0xFFFFC000  }
0x60: {  	[tilespmem:s4], [sflag:$0x2] =	stream.linear.gather [hbm4b:s19+s4], $0x80, $0x38;
	[tilespmem:$0x17E40] =	vst v63  }
0x61: {  	_ =	swait.ge [sflag:s12], $0x80  }
0x62: {  	[sflag:s12] =	ssyncset.done $0x0  }
0x63: {  	[sflag:s12] =	ssyncadd.s32 $0xFFFFFF80  }
0x64: {  	[spmem:s3] =	stream.indirect.scatter.add.f32 [tilespmem:s13], [sflag:$0x1], $0x80, s4, s14, $0xb8;
	[tilespmem:$0x17E40] =	vst v63  }
0x65: {  	s20 =	sadd.s32 $0x10, s19  }
0x66: {  	[tilespmem:s14], [sflag:$0x2] =	stream.linear.gather [hbm4b:s20+s4], $0x80, $0x38;
	[tilespmem:$0x17E40] =	vst v63  }
0x67: {  	_ =	swait.ge [sflag:s12], $0x80  }
0x68: {  	[sflag:s12] =	ssyncset.done $0x0  }
0x69: {  	[sflag:s12] =	ssyncadd.s32 $0xFFFFFF80  }
0x6a: {  	[spmem:s3] =	stream.indirect.scatter.add.f32 [tilespmem:s13], [sflag:$0x1], $0x80, s14, s14, $0xb8;
	[tilespmem:$0x17E40] =	vst v63  }
0x6b: {  	s31 =	sadd.s32 $0x20, s19  }
0x6c: {  	[tilespmem:s15], [sflag:$0x2] =	stream.linear.gather [hbm4b:s31+s4], $0x80, $0x38;
	[tilespmem:$0x17E40] =	vst v63  }
0x6d: {  	_ =	swait.ge [sflag:s12], $0x80  }
0x6e: {  	[sflag:s12] =	ssyncset.done $0x0  }
0x6f: {  	[sflag:s12] =	ssyncadd.s32 $0xFFFFFF80  }
0x70: {  	[spmem:s3] =	stream.indirect.scatter.add.f32 [tilespmem:s13], [sflag:$0x1], $0x80, s15, s14, $0xb8;
	[tilespmem:$0x17E40] =	vst v63  }
0x71: {  	s19 =	sadd.s32 $0x30, s19  }
0x72: {  	[tilespmem:s16], [sflag:$0x2] =	stream.linear.gather [hbm4b:s19+s4], $0x80, $0x38;
	[tilespmem:$0x17E40] =	vst v63  }
0x73: {  	_ =	swait.ge [sflag:s12], $0x80  }
0x74: {  	[sflag:s12] =	ssyncset.done $0x0  }
0x75: {  	[sflag:s12] =	ssyncadd.s32 $0xFFFFFF80  }
0x76: {  	[spmem:s3] =	stream.indirect.scatter.add.f32 [tilespmem:s13], [sflag:$0x1], $0x80, s16, s14, $0xb8;
	[tilespmem:$0x17E40] =	vst v63  }
0x77: {  	_ =	swait.ge [sflag:s17], $0x4000  }
0x78: {  	[sflag:s17] =	ssyncset.done $0x0  }
0x79: {  	[sflag:s17] =	ssyncadd.s32 $0xFFFFC000  }
0x7a: {  	_ =	swait.ge [sflag:s17], $0x4000  }
0x7b: {  	[sflag:s17] =	ssyncset.done $0x0  }
0x7c: {  	[sflag:s17] =	ssyncadd.s32 $0xFFFFC000  }
0x7d: {  	_ =	swait.ge [sflag:s17], $0x4000  }
0x7e: {  	[sflag:s17] =	ssyncset.done $0x0  }
0x7f: {  	[sflag:s17] =	ssyncadd.s32 $0xFFFFC000  }
0x80: {  	_ =	swait.ge [sflag:s17], $0x4000  }
0x81: {  	s18 =	sadd.s32 $0x1, s18;
	[sflag:s17] =	ssyncset.done $0x0  }
0x82: {  	p0 =	sne.s32 s18, s10;
	[sflag:s17] =	ssyncadd.s32 $0xFFFFC000  }
.Ltmp1:
0x83: {  	[bflag:$0x0] =	sbarrier.arrive $0xFFFF;
	(pc) =	sbr.rel @p0 .LBB2_1-.Ltmp1, $4  }
0x84: {  	[hbm:s9], [sflag:s7] =	dma.local [spmem:s11], $0x2780  }
0x85: {  	_ =	swait.ge [sflag:s12], $0x2780  }
0x86: {  	[sflag:s12] =	ssyncset.done $0x0  }
0x87: {  	[sflag:s12] =	ssyncadd.s32 $0xFFFFD880  }
0x88: {  	_ =	sfence.sel $0x180000  }
0x89: {  	[bflag:$0x0] =	sbarrier.arrive $0xFFFF  }
0x8a: {  	p0 =	sne.s32 s1, $0x0;
	_ =	strace $0x90000047  }
0x8b: {  	s0 =	sadd.s32 @!p0 $0x100000, s0;
	[bflag:$0x2] =	sbarrier.arrive $0xFFFF  }
0x8c: {  	[sflag:s0] =	ssyncadd.tile.s32 @!p0 $0x1;
	_ =	shalt  }
.Lfunc_end2:
_tile_overlayer_lowered:
.L_overlay_start_2:
0x8d: {  	(tag) =	ssettag $0x2  }
0x8e: {  	s0 =	rddreg [dreg:$0x0];
	s2 =	stileid.u32  }
0x8f: {  	s1 =	rddreg [dreg:$0x1];
	p0 =	sne.s32 s2, $0x0  }
0x90: {  	s3 =	rddreg [dreg:$0x2];
	[bflag:$0x3] =	sbarrier.arrive $0xFFFF;
	s2 =	simm.s32 @!p0 $0x1C02  }
0x91: {  	[timem:s3], [sflag:s2] =	dma.local @!p0 [hbm:s0], s1  }
0x92: {  	s0 =	simm.s32 @!p0 $0x2  }
0x93: {  	_ =	swait.ge @!p0 [sflag:s0], s1  }
0x94: {  	s1 =	ssub.s32 @!p0 $0x0, s1;
	[sflag:s0] =	ssyncset.done @!p0 $0x0  }
0x95: {  	[sflag:s0] =	ssyncadd.s32 @!p0 s1  }
0x96: {  	[bflag:$0x3] =	sbarrier.arrive $0xFFFF  }
0x97: {  	_ =	shalt  }

</sc_bundles>
